<compile_context>
chip_gen: v7x
topology: tpu7x:2x2x1
jax: 0.10.2.dev20260603
libtpu: 0.0.44.dev20260713+nightly
codegen_flags: <defaults>
</compile_context>

<pallas_src>
import functools

import jax
import jax.numpy as jnp
from jax import lax
from jax.experimental import pallas as pl
from jax.experimental.pallas import tpu as pltpu
from jax.experimental.pallas import tpu_sc as plsc

NCORES = 2
NTILES = 16
LANES = 16
CHUNK = 128
NBUF = 2


def _leaky(v):
    return jnp.where(v >= 0, v, 0.2 * v)


def _k1_body(x_ref, w_ref, att_ref, h_ref, a_ref):
    x = x_ref[...]
    h = jnp.dot(x, w_ref[0], preferred_element_type=jnp.float32)
    h_ref[...] = h
    a_s = jnp.dot(h, att_ref[0, 0][:, None], preferred_element_type=jnp.float32)
    a_d = jnp.dot(h, att_ref[0, 1][:, None], preferred_element_type=jnp.float32)
    a_ref[...] = jnp.concatenate([a_s, a_d], axis=1)


def _k1(x, wcat, attcat, n, d, f, br):
    nb = n // br
    return pl.pallas_call(
        _k1_body,
        grid=(2, nb),
        in_specs=[
            pl.BlockSpec((br, d), lambda c, b: (b, 0)),
            pl.BlockSpec((1, d, f), lambda c, b: (c, 0, 0)),
            pl.BlockSpec((1, 2, f), lambda c, b: (c, 0, 0)),
        ],
        out_specs=[
            pl.BlockSpec((br, f), lambda c, b: (c * nb + b, 0)),
            pl.BlockSpec((br, 2), lambda c, b: (c * nb + b, 0)),
        ],
        out_shape=[
            jax.ShapeDtypeStruct((2 * n, f), jnp.float32),
            jax.ShapeDtypeStruct((2 * n, 2), jnp.float32),
        ],
    )(x, wcat, attcat)


def _k2_body(n, h_ref, a_ref, init_ref, self_ref, bounds_ref):
    a_s = a_ref[:, 0:1]
    a_d = a_ref[:, 1:2]
    bf = _leaky(jnp.max(a_s[:n]) + jnp.max(a_d[:n]))
    bb = _leaky(jnp.max(a_s[n:]) + jnp.max(a_d[n:]))
    rows = lax.broadcasted_iota(jnp.int32, a_s.shape, 0)
    bvec = jnp.where(rows < n, bf, bb)
    ee = jnp.exp(_leaky(a_s + a_d) - bvec)
    init_ref[...] = h_ref[...] * ee
    self_ref[...] = ee
    bounds_ref[...] = jnp.concatenate(
        [jnp.full((1, 16), bf, jnp.float32), jnp.full((1, 16), bb, jnp.float32)])


def _k2(h, a, n, f):
    return pl.pallas_call(
        functools.partial(_k2_body, n),
        out_shape=[
            jax.ShapeDtypeStruct((2 * n, f), jnp.float32),
            jax.ShapeDtypeStruct((2 * n, 1), jnp.float32),
            jax.ShapeDtypeStruct((2, 16), jnp.float32),
        ],
    )(h, a)


def _sc_edge_kernel(n, e, f, ept_pad, npad):
    nchunks = ept_pad // CHUNK
    nquads = nchunks // NBUF
    nblk = n // 8
    nppt = npad // NTILES
    mesh = plsc.VectorSubcoreMesh(core_axis_name="c", subcore_axis_name="s",
                                  num_cores=NCORES, num_subcores=NTILES)

    @functools.partial(
        pl.kernel,
        out_type=[jax.ShapeDtypeStruct((2 * n, f), jnp.float32),
                  jax.ShapeDtypeStruct((2 * npad,), jnp.float32)],
        mesh=mesh,
        compiler_params=pltpu.CompilerParams(needs_layout_passes=False,
                                             use_tc_tiling_on_sc=False),
        scratch_types=[
            pltpu.VMEM((n + LANES,), jnp.float32),
            pltpu.VMEM((n + LANES,), jnp.float32),
            pltpu.VMEM((16,), jnp.float32),
            pltpu.VMEM((NBUF, CHUNK), jnp.int32),
            pltpu.VMEM((2 * NBUF, CHUNK), jnp.int32),
            pltpu.VMEM((NBUF, CHUNK), jnp.int32),
            pltpu.VMEM((NBUF, CHUNK + LANES), jnp.float32),
            pltpu.VMEM((npad,), jnp.float32),
            pltpu.VMEM((NTILES, nppt), jnp.float32),
            pltpu.VMEM((CHUNK, 64), jnp.float32),
            pltpu.VMEM((CHUNK, 64), jnp.float32),
            pltpu.VMEM_SHARED((n + 8, 64), jnp.float32),
            pltpu.VMEM_SHARED((NTILES, npad), jnp.float32),
            pltpu.SemaphoreType.DMA,
            pltpu.SemaphoreType.DMA,
            pltpu.SemaphoreType.DMA,
            pltpu.SemaphoreType.DMA,
            pltpu.SemaphoreType.DMA,
            pltpu.SemaphoreType.DMA,
            pltpu.SemaphoreType.DMA,
            pltpu.SemaphoreType.DMA,
            pltpu.SemaphoreType.DMA,
            pltpu.SemaphoreType.DMA,
            pltpu.SemaphoreType.DMA,
            pltpu.SemaphoreType.DMA,
        ],
    )
    def body(eidx, asrc, adst, bounds, h_hbm, init, num, den,
             asrc_t, adst_t, bnd_t, gidx_t, sidx_t, hidx_t, eexp_t, den_t,
             red_buf, rows0, rows1, acc_sh, den_all_sh,
             sem_i0, sem_i1, sem_i2, sem_i3, sem_g0, sem_g1, sem_g2, sem_g3,
             sem_s0, sem_s1, sem_s2, sem_s3):
        rows = [rows0, rows1]
        sem_i = [sem_i0, sem_i1, sem_i2, sem_i3]
        sem_g = [sem_g0, sem_g1, sem_g2, sem_g3]
        sem_s = [sem_s0, sem_s1, sem_s2, sem_s3]
        c = lax.axis_index("c")
        s = lax.axis_index("s")
        coff = pl.multiple_of(c * n, 8)
        pltpu.sync_copy(asrc.at[pl.ds(coff, n)], asrc_t.at[pl.ds(0, n)])
        pltpu.sync_copy(adst.at[pl.ds(coff, n)], adst_t.at[pl.ds(0, n)])
        pltpu.sync_copy(bounds.at[pl.ds(c * 16, 16)], bnd_t)
        asrc_t[pl.ds(n, LANES)] = jnp.zeros((LANES,), jnp.float32)
        adst_t[pl.ds(n, LANES)] = jnp.zeros((LANES,), jnp.float32)

        zero16 = jnp.zeros((LANES,), jnp.float32)

        def z_body(i, _):
            den_t[pl.ds(i * LANES, LANES)] = zero16
            return 0

        lax.fori_loop(0, npad // LANES, z_body, 0)

        nmine = nblk // NTILES + jnp.where(s < nblk % NTILES, 1, 0)

        def init_body(k, _):
            t = (s + k * NTILES) * 8
            pltpu.sync_copy(init.at[pl.ds(c * n + t, 8)], acc_sh.at[pl.ds(t, 8)])
            return 0

        lax.fori_loop(0, nmine, init_body, 0)
        plsc.subcore_barrier()

        bv = bnd_t[...]
        ebase = s * ept_pad

        def i_start(kc, b, slot):
            pltpu.async_copy(eidx.at[c, s, kc], gidx_t.at[b], sem_i[b])
            pltpu.async_copy(eidx.at[1 - c, s, kc], sidx_t.at[slot], sem_i[b])

        def i_wait(kc, b, slot):
            pltpu.make_async_copy(eidx.at[c, s, kc], gidx_t.at[b],
                                  sem_i[b]).wait()
            pltpu.make_async_copy(eidx.at[1 - c, s, kc], sidx_t.at[slot],
                                  sem_i[b]).wait()

        def compute(kc, b, slot):
            def cv(j, _):
                sl = pl.ds(j * LANES, LANES)
                gi = gidx_t[b, sl]
                si = sidx_t[slot, sl]
                av = plsc.load_gather(asrc_t, [gi])
                ad = plsc.load_gather(adst_t, [si])
                ee = jnp.exp(_leaky(av + ad) - bv)
                ids = ebase + kc * CHUNK + j * LANES + lax.iota(jnp.int32, LANES)
                ee = jnp.where(ids < e, ee, 0.0)
                eexp_t[b, sl] = ee
                hidx_t[b, sl] = gi + coff
                plsc.addupdate_scatter(den_t, [si], ee)
                return 0

            lax.fori_loop(0, CHUNK // LANES, cv, 0)

        def g_start(b):
            pltpu.async_copy(h_hbm.at[hidx_t.at[b]], rows[b], sem_g[b])

        def g_wait(b):
            pltpu.make_async_copy(h_hbm.at[hidx_t.at[b]], rows[b],
                                  sem_g[b]).wait()

        def s_start(b, slot):
            pltpu.async_copy(rows[b], acc_sh.at[sidx_t.at[slot]], sem_s[b],
                             add=True)

        def s_wait(b, slot):
            pltpu.make_async_copy(rows[b], acc_sh.at[sidx_t.at[slot]],
                                  sem_s[b]).wait()

        def scale(b):
            def sb(jj, _):
                base = jj * 2
                ee16 = eexp_t[b, pl.ds(base, LANES)]
                for i in range(2):
                    sv = ee16[i]
                    r = base + i
                    for q in range(64 // LANES):
                        sl = pl.ds(q * LANES, LANES)
                        rows[b][r, sl] = rows[b][r, sl] * sv
                return 0

            lax.fori_loop(0, CHUNK // 2, sb, 0)

        for b in range(NBUF):
            i_start(b, b, b)

        def quad_body(q, _):
            qm = q % 2
            sbase = NBUF * qm
            for b in range(NBUF):
                kc = NBUF * q + b
                i_wait(kc, b, sbase + b)
                compute(kc, b, sbase + b)

                @pl.when(q > 0)
                def _(b=b):
                    s_wait(b, NBUF * (1 - qm) + b)
                g_start(b)

            @pl.when(q < nquads - 1)
            def _():
                for b in range(NBUF):
                    i_start(NBUF * (q + 1) + b, b, NBUF * (1 - qm) + b)

            for b in range(NBUF):
                g_wait(b)
                scale(b)
                s_start(b, sbase + b)
            return 0

        lax.fori_loop(0, nquads, quad_body, 0)
        for b in range(NBUF):
            s_wait(b, NBUF * ((nquads - 1) % 2) + b)
        plsc.subcore_barrier()

        pltpu.sync_copy(den_t, den_all_sh.at[s])
        plsc.subcore_barrier()
        dcol = pl.multiple_of(s * nppt, 8)
        pltpu.sync_copy(den_all_sh.at[:, pl.ds(dcol, nppt)], red_buf)

        def dred_body(j, _):
            sl = pl.ds(j * LANES, LANES)
            v = red_buf[0, sl]
            for r in range(1, NTILES):
                v = v + red_buf[r, sl]
            den_t[sl] = v
            return 0

        lax.fori_loop(0, nppt // LANES, dred_body, 0)
        pltpu.sync_copy(den_t.at[pl.ds(0, nppt)],
                        den.at[pl.ds(c * npad + dcol, nppt)])

        def out_body(k, _):
            t = (s + k * NTILES) * 8
            pltpu.sync_copy(acc_sh.at[pl.ds(t, 8)], num.at[pl.ds(c * n + t, 8)])
            return 0

        lax.fori_loop(0, nmine, out_body, 0)

    return body


def _k3_body(n, f, num_ref, dene_ref, selfee_ref, bf_ref, bb_ref, wf_ref,
             bfu_ref, g_ref, be_ref, out_ref):
    den = dene_ref[...] + selfee_ref[...]
    agg = num_ref[...] / den
    outf = agg[:n] + bf_ref[...][None, :]
    outb = agg[n:] + bb_ref[...][None, :]
    combined = jnp.concatenate([outf, outb], axis=1)
    fused = jnp.dot(combined, wf_ref[...], preferred_element_type=jnp.float32)
    fused = fused + bfu_ref[...][None, :]
    mu = jnp.mean(fused, axis=0, keepdims=True)
    var = jnp.mean((fused - mu) ** 2, axis=0, keepdims=True)
    normed = (fused - mu) / jnp.sqrt(var + 1e-5) * g_ref[...][None, :] + be_ref[...][None, :]
    out_ref[...] = jnp.maximum(normed, 0.0)


def _k3(num, dene, selfee, b_fwd, b_bwd, w_fuse, b_fuse, gamma, beta, n, f):
    hid = w_fuse.shape[0]
    return pl.pallas_call(
        functools.partial(_k3_body, n, f),
        out_shape=jax.ShapeDtypeStruct((n, hid), jnp.float32),
    )(num, dene, selfee, b_fwd, b_bwd, w_fuse, b_fuse, gamma, beta)


def kernel(x, edge_index, W_fwd, att_src_fwd, att_dst_fwd, b_fwd,
           W_bwd, att_src_bwd, att_dst_bwd, b_bwd, W_fuse, b_fuse, gamma, beta):
    n, d = x.shape
    f = W_fwd.shape[1]
    e = edge_index.shape[1]

    wcat = jnp.stack([W_fwd, W_bwd])
    attcat = jnp.stack([jnp.stack([att_src_fwd, att_dst_fwd]),
                        jnp.stack([att_src_bwd, att_dst_bwd])])

    br = 1000 if n % 1000 == 0 else 8
    h, a = _k1(x, wcat, attcat, n, d, f, br)
    init, selfee, bounds = _k2(h, a, n, f)
    asrc = a[:, 0] + 0.0
    adst = a[:, 1] + 0.0

    ept_pad = -(-e // (NTILES * NBUF * CHUNK)) * NBUF * CHUNK
    epad = NTILES * ept_pad
    nchunks = ept_pad // CHUNK
    npad = -(-n // (NTILES * LANES)) * NTILES * LANES
    src = edge_index[0].astype(jnp.int32)
    dst = edge_index[1].astype(jnp.int32)
    pad = jnp.zeros((epad - e,), jnp.int32)
    eidx = jnp.stack([jnp.concatenate([src, pad]),
                      jnp.concatenate([dst, pad])])
    eidx = eidx.reshape(2, NTILES, nchunks, CHUNK)

    sc = _sc_edge_kernel(n, e, f, ept_pad, npad)
    num, den = sc(eidx, asrc, adst, bounds.reshape(-1), h, init)
    dene = den.reshape(2, npad)[:, :n].reshape(2 * n, 1)

    return _k3(num, dene, selfee, b_fwd, b_bwd, W_fuse, b_fuse, gamma, beta, n, f)

# --- scband reference (transcript-rebuilt; emitter-appended) ---
"""Pipeline reference for scband-bgnn4-vd-24498493456396 (READ-ONLY COPY).

The authoritative reference and input builder live on the scoring server;
editing this copy changes nothing except your own understanding.
"""

import jax, jax.numpy as jnp
import numpy as np

N, E, D, F = 10000, 320000, 128, 64  # nodes, edges, in_dim, per-direction GAT out dim (hidden_dim//2, heads=1)
HID = 128


def setup_inputs(seed: int = 0) -> dict:
    key = jax.random.key(seed)
    ks = jax.random.split(key, 16)
    x = jax.random.normal(ks[0], (N, D), dtype=jnp.float32)
    edge_index = jax.random.randint(ks[1], (2, E), 0, N)
    s = 1.0 / np.sqrt(D)
    W_fwd = jax.random.normal(ks[2], (D, F), dtype=jnp.float32) * s
    att_src_fwd = jax.random.normal(ks[3], (F,), dtype=jnp.float32) * 0.1
    att_dst_fwd = jax.random.normal(ks[4], (F,), dtype=jnp.float32) * 0.1
    b_fwd = jnp.zeros((F,), dtype=jnp.float32)
    W_bwd = jax.random.normal(ks[5], (D, F), dtype=jnp.float32) * s
    att_src_bwd = jax.random.normal(ks[6], (F,), dtype=jnp.float32) * 0.1
    att_dst_bwd = jax.random.normal(ks[7], (F,), dtype=jnp.float32) * 0.1
    b_bwd = jnp.zeros((F,), dtype=jnp.float32)
    W_fuse = jax.random.normal(ks[8], (HID, HID), dtype=jnp.float32) * (1.0 / np.sqrt(HID))
    b_fuse = jnp.zeros((HID,), dtype=jnp.float32)
    gamma = jnp.ones((HID,), dtype=jnp.float32)
    beta = jnp.zeros((HID,), dtype=jnp.float32)
    return {"x": x, "edge_index": edge_index, "W_fwd": W_fwd, "att_src_fwd": att_src_fwd,
            "att_dst_fwd": att_dst_fwd, "b_fwd": b_fwd, "W_bwd": W_bwd, "att_src_bwd": att_src_bwd,
            "att_dst_bwd": att_dst_bwd, "b_bwd": b_bwd, "W_fuse": W_fuse, "b_fuse": b_fuse,
            "gamma": gamma, "beta": beta}


def _gat_conv(x, src, dst, W, att_src, att_dst, bias):
    # PyG GATConv with heads=1, concat=True, add_self_loops=True, negative_slope=0.2 (eval: no dropout)
    n = x.shape[0]
    loop = jnp.arange(n, dtype=src.dtype)
    src = jnp.concatenate([src, loop])
    dst = jnp.concatenate([dst, loop])
    h = x @ W                                   # [N, F]
    a_src = h @ att_src                         # [N]
    a_dst = h @ att_dst                         # [N]
    e = a_src[src] + a_dst[dst]                 # [E+N]
    e = jax.nn.leaky_relu(e, 0.2)
    # softmax over incoming edges per destination node
    e_max = jax.ops.segment_max(e, dst, num_segments=n)
    e_exp = jnp.exp(e - e_max[dst])
    denom = jax.ops.segment_sum(e_exp, dst, num_segments=n)
    alpha = e_exp / (denom[dst] + 1e-16)
    out = jax.ops.segment_sum(alpha[:, None] * h[src], dst, num_segments=n)
    return out + bias


def reference(x, edge_index, W_fwd, att_src_fwd, att_dst_fwd, b_fwd,
              W_bwd, att_src_bwd, att_dst_bwd, b_bwd, W_fuse, b_fuse, gamma, beta):
    src, dst = edge_index[0], edge_index[1]
    fwd_out = _gat_conv(x, src, dst, W_fwd, att_src_fwd, att_dst_fwd, b_fwd)
    # backward direction: torch.flip(edge_index, [0]) swaps src/dst
    bwd_out = _gat_conv(x, dst, src, W_bwd, att_src_bwd, att_dst_bwd, b_bwd)
    combined = jnp.concatenate([fwd_out, bwd_out], axis=1)  # [N, HID]
    fused = combined @ W_fuse + b_fuse
    # BatchNorm1d (training-mode batch statistics, eps=1e-5)
    mu = jnp.mean(fused, axis=0)
    var = jnp.mean((fused - mu) ** 2, axis=0)
    normed = (fused - mu) / jnp.sqrt(var + 1e-5) * gamma + beta
    return jax.nn.relu(normed)


if False:  # reference __main__ guard neutralized (emitter)
    inp = setup_inputs()
    out = reference(**inp)
    print(out.shape, out.dtype)

if __name__ == "__main__":
    import jax
    _d = setup_inputs()
    print(jax.jit(kernel)(*tuple(_d.values())))

</pallas_src>

<mosaic_0001>
#map = affine_map<(d0, d1) -> (0, 0, 0, 0)>
#map1 = affine_map<(d0, d1) -> (0)>
#map2 = affine_map<(d0, d1) -> (0, 0)>
module attributes {stable_mosaic.version = 14 : i64} {
  func.func @body(%arg0: i32, %arg1: i32, %arg2: memref<2x16x158x128xi32, #tpu.memory_space<hbm>>, %arg3: memref<20000xf32, #tpu.memory_space<hbm>>, %arg4: memref<20000xf32, #tpu.memory_space<hbm>>, %arg5: memref<32xf32, #tpu.memory_space<hbm>>, %arg6: memref<20000x64xf32, #tpu.memory_space<hbm>>, %arg7: memref<20000x64xf32, #tpu.memory_space<hbm>>, %arg8: memref<20000x64xf32, #tpu.memory_space<hbm>>, %arg9: memref<20480xf32, #tpu.memory_space<hbm>>, %arg10: memref<10016xf32, #tpu.memory_space<vmem>>, %arg11: memref<10016xf32, #tpu.memory_space<vmem>>, %arg12: memref<16xf32, #tpu.memory_space<vmem>>, %arg13: memref<2x128xi32, #tpu.memory_space<vmem>>, %arg14: memref<4x128xi32, #tpu.memory_space<vmem>>, %arg15: memref<2x128xi32, #tpu.memory_space<vmem>>, %arg16: memref<2x144xf32, #tpu.memory_space<vmem>>, %arg17: memref<10240xf32, #tpu.memory_space<vmem>>, %arg18: memref<16x640xf32, #tpu.memory_space<vmem>>, %arg19: memref<128x64xf32, #tpu.memory_space<vmem>>, %arg20: memref<128x64xf32, #tpu.memory_space<vmem>>, %arg21: memref<10008x64xf32, #tpu.memory_space<vmem_shared>>, %arg22: memref<16x10240xf32, #tpu.memory_space<vmem_shared>>, %arg23: memref<!tpu.dma_semaphore, #tpu.memory_space<semaphore_mem>>, %arg24: memref<!tpu.dma_semaphore, #tpu.memory_space<semaphore_mem>>, %arg25: memref<!tpu.dma_semaphore, #tpu.memory_space<semaphore_mem>>, %arg26: memref<!tpu.dma_semaphore, #tpu.memory_space<semaphore_mem>>, %arg27: memref<!tpu.dma_semaphore, #tpu.memory_space<semaphore_mem>>, %arg28: memref<!tpu.dma_semaphore, #tpu.memory_space<semaphore_mem>>, %arg29: memref<!tpu.dma_semaphore, #tpu.memory_space<semaphore_mem>>, %arg30: memref<!tpu.dma_semaphore, #tpu.memory_space<semaphore_mem>>, %arg31: memref<!tpu.dma_semaphore, #tpu.memory_space<semaphore_mem>>, %arg32: memref<!tpu.dma_semaphore, #tpu.memory_space<semaphore_mem>>, %arg33: memref<!tpu.dma_semaphore, #tpu.memory_space<semaphore_mem>>, %arg34: memref<!tpu.dma_semaphore, #tpu.memory_space<semaphore_mem>>) attributes {dimension_semantics = [#tpu.dimension_semantics<core_parallel>, #tpu.dimension_semantics<subcore_parallel>], iteration_bounds = array<i64: 2, 16>, scalar_prefetch = 0 : i64, scratch_operands = 25 : i64, tpu.core_type = #tpu.core_type<sc_vector_subcore>, window_params = [{transform_indices = #map}, {transform_indices = #map1}, {transform_indices = #map1}, {transform_indices = #map1}, {transform_indices = #map2}, {transform_indices = #map2}, {transform_indices = #map2}, {transform_indices = #map1}]} {
    %mul3A = arith.constant 10000 : i32
    %mul3A_0 = arith.muli %arg0, %mul3A : i32
    %multiple_of3A = tpu.assume_multiple %mul3A_0, 8 : i32
    "tpu.region"() ({
      %run_scoped3A = tpu.sem_alloc : memref<!tpu.dma_semaphore, #tpu.memory_space<semaphore_mem>>
      %dma_start3A_139 = arith.constant 0 : i32
      %dma_start3A_140 = tpu.memref_slice %arg10[%dma_start3A_139] : memref<10016xf32, #tpu.memory_space<vmem>> -> memref<10000xf32, #tpu.memory_space<vmem>>
      %dma_start3A_141 = tpu.memref_slice %arg3[%multiple_of3A] : memref<20000xf32, #tpu.memory_space<hbm>> -> memref<10000xf32, #tpu.memory_space<hbm>>
      %dma_start3A_142 = arith.constant 0 : i32
      %dma_start3A_143 = tpu.memref_slice %arg10[%dma_start3A_142] : memref<10016xf32, #tpu.memory_space<vmem>> -> memref<10000xf32, #tpu.memory_space<vmem>>
      %dma_start3A_144 = tpu.memref_slice %arg3[%multiple_of3A] : memref<20000xf32, #tpu.memory_space<hbm>> -> memref<10000xf32, #tpu.memory_space<hbm>>
      tpu.enqueue_dma source(%dma_start3A_144 : memref<10000xf32, #tpu.memory_space<hbm>>) target(%dma_start3A_143 : memref<10000xf32, #tpu.memory_space<vmem>>) target_semaphore(%run_scoped3A : memref<!tpu.dma_semaphore, #tpu.memory_space<semaphore_mem>>)
      %dma_wait3A_145 = arith.constant 0 : i32
      %dma_wait3A_146 = tpu.memref_slice %arg10[%dma_wait3A_145] : memref<10016xf32, #tpu.memory_space<vmem>> -> memref<10000xf32, #tpu.memory_space<vmem>>
      %dma_wait3A_147 = tpu.memref_slice %arg3[%multiple_of3A] : memref<20000xf32, #tpu.memory_space<hbm>> -> memref<10000xf32, #tpu.memory_space<hbm>>
      %dma_wait3A_148 = arith.constant 0 : i32
      %dma_wait3A_149 = tpu.memref_slice %arg10[%dma_wait3A_148] : memref<10016xf32, #tpu.memory_space<vmem>> -> memref<10000xf32, #tpu.memory_space<vmem>>
      %dma_wait3A_150 = tpu.memref_slice %arg3[%multiple_of3A] : memref<20000xf32, #tpu.memory_space<hbm>> -> memref<10000xf32, #tpu.memory_space<hbm>>
      tpu.wait_dma2 semaphore(%run_scoped3A : memref<!tpu.dma_semaphore, #tpu.memory_space<semaphore_mem>>) src(%dma_wait3A_150 : memref<10000xf32, #tpu.memory_space<hbm>>) dst(%dma_wait3A_149 : memref<10000xf32, #tpu.memory_space<vmem>>)
      tpu.yield
    }) : () -> ()
    "tpu.region"() ({
      %run_scoped3A = tpu.sem_alloc : memref<!tpu.dma_semaphore, #tpu.memory_space<semaphore_mem>>
      %dma_start3A_139 = arith.constant 0 : i32
      %dma_start3A_140 = tpu.memref_slice %arg11[%dma_start3A_139] : memref<10016xf32, #tpu.memory_space<vmem>> -> memref<10000xf32, #tpu.memory_space<vmem>>
      %dma_start3A_141 = tpu.memref_slice %arg4[%multiple_of3A] : memref<20000xf32, #tpu.memory_space<hbm>> -> memref<10000xf32, #tpu.memory_space<hbm>>
      %dma_start3A_142 = arith.constant 0 : i32
      %dma_start3A_143 = tpu.memref_slice %arg11[%dma_start3A_142] : memref<10016xf32, #tpu.memory_space<vmem>> -> memref<10000xf32, #tpu.memory_space<vmem>>
      %dma_start3A_144 = tpu.memref_slice %arg4[%multiple_of3A] : memref<20000xf32, #tpu.memory_space<hbm>> -> memref<10000xf32, #tpu.memory_space<hbm>>
      tpu.enqueue_dma source(%dma_start3A_144 : memref<10000xf32, #tpu.memory_space<hbm>>) target(%dma_start3A_143 : memref<10000xf32, #tpu.memory_space<vmem>>) target_semaphore(%run_scoped3A : memref<!tpu.dma_semaphore, #tpu.memory_space<semaphore_mem>>)
      %dma_wait3A_145 = arith.constant 0 : i32
      %dma_wait3A_146 = tpu.memref_slice %arg11[%dma_wait3A_145] : memref<10016xf32, #tpu.memory_space<vmem>> -> memref<10000xf32, #tpu.memory_space<vmem>>
      %dma_wait3A_147 = tpu.memref_slice %arg4[%multiple_of3A] : memref<20000xf32, #tpu.memory_space<hbm>> -> memref<10000xf32, #tpu.memory_space<hbm>>
      %dma_wait3A_148 = arith.constant 0 : i32
      %dma_wait3A_149 = tpu.memref_slice %arg11[%dma_wait3A_148] : memref<10016xf32, #tpu.memory_space<vmem>> -> memref<10000xf32, #tpu.memory_space<vmem>>
      %dma_wait3A_150 = tpu.memref_slice %arg4[%multiple_of3A] : memref<20000xf32, #tpu.memory_space<hbm>> -> memref<10000xf32, #tpu.memory_space<hbm>>
      tpu.wait_dma2 semaphore(%run_scoped3A : memref<!tpu.dma_semaphore, #tpu.memory_space<semaphore_mem>>) src(%dma_wait3A_150 : memref<10000xf32, #tpu.memory_space<hbm>>) dst(%dma_wait3A_149 : memref<10000xf32, #tpu.memory_space<vmem>>)
      tpu.yield
    }) : () -> ()
    %mul3A_1 = arith.constant 16 : i32
    %mul3A_2 = arith.muli %arg0, %mul3A_1 : i32
    "tpu.region"() ({
      %run_scoped3A = tpu.sem_alloc : memref<!tpu.dma_semaphore, #tpu.memory_space<semaphore_mem>>
      %dma_start3A_139 = tpu.memref_slice %arg5[%mul3A_2] : memref<32xf32, #tpu.memory_space<hbm>> -> memref<16xf32, #tpu.memory_space<hbm>>
      %dma_start3A_140 = tpu.memref_slice %arg5[%mul3A_2] : memref<32xf32, #tpu.memory_space<hbm>> -> memref<16xf32, #tpu.memory_space<hbm>>
      tpu.enqueue_dma source(%dma_start3A_140 : memref<16xf32, #tpu.memory_space<hbm>>) target(%arg12 : memref<16xf32, #tpu.memory_space<vmem>>) target_semaphore(%run_scoped3A : memref<!tpu.dma_semaphore, #tpu.memory_space<semaphore_mem>>)
      %dma_wait3A_141 = tpu.memref_slice %arg5[%mul3A_2] : memref<32xf32, #tpu.memory_space<hbm>> -> memref<16xf32, #tpu.memory_space<hbm>>
      %dma_wait3A_142 = tpu.memref_slice %arg5[%mul3A_2] : memref<32xf32, #tpu.memory_space<hbm>> -> memref<16xf32, #tpu.memory_space<hbm>>
      tpu.wait_dma2 semaphore(%run_scoped3A : memref<!tpu.dma_semaphore, #tpu.memory_space<semaphore_mem>>) src(%dma_wait3A_142 : memref<16xf32, #tpu.memory_space<hbm>>) dst(%arg12 : memref<16xf32, #tpu.memory_space<vmem>>)
      tpu.yield
    }) : () -> ()
    %broadcast_in_dim3A = arith.constant 0.000000e+00 : f32
    %broadcast_in_dim3A_3 = vector.broadcast %broadcast_in_dim3A : f32 to vector<16xf32>
    %swap3A = arith.constant 10000 : index
    %swap3A_4 = tpu.vector_load %arg10[%swap3A] {strides = array<i32>} : memref<10016xf32, #tpu.memory_space<vmem>>, vector<16xf32>,
    tpu.vector_store %arg10[%swap3A], %broadcast_in_dim3A_3 {strides = array<i32>} : memref<10016xf32, #tpu.memory_space<vmem>>, vector<16xf32>,
    %broadcast_in_dim3A_5 = arith.constant 0.000000e+00 : f32
    %broadcast_in_dim3A_6 = vector.broadcast %broadcast_in_dim3A_5 : f32 to vector<16xf32>
    %swap3A_7 = arith.constant 10000 : index
    %swap3A_8 = tpu.vector_load %arg11[%swap3A_7] {strides = array<i32>} : memref<10016xf32, #tpu.memory_space<vmem>>, vector<16xf32>,
    tpu.vector_store %arg11[%swap3A_7], %broadcast_in_dim3A_6 {strides = array<i32>} : memref<10016xf32, #tpu.memory_space<vmem>>, vector<16xf32>,
    %broadcast_in_dim3A_9 = arith.constant 0.000000e+00 : f32
    %broadcast_in_dim3A_10 = vector.broadcast %broadcast_in_dim3A_9 : f32 to vector<16xf32>
    %scan3A = arith.constant 0 : i32
    %scan3A_11 = arith.constant 0 : i32
    %scan3A_12 = arith.constant 640 : i32
    %scan3A_13 = arith.addi %scan3A_11, %scan3A_12 : i32
    %scan3A_14 = arith.constant 1 : i32
    %scan3A_15 = scf.for %scan3A_139 = %scan3A_11 to %scan3A_13 step %scan3A_14 iter_args(%scan3A_140 = %scan3A) -> (i32)  : i32 {
      %mul3A_141 = arith.constant 16 : i32
      %mul3A_142 = arith.muli %scan3A_139, %mul3A_141 : i32
      %swap3A_143 = arith.index_cast %mul3A_142 : i32 to index
      %swap3A_144 = tpu.vector_load %arg17[%swap3A_143] {strides = array<i32>} : memref<10240xf32, #tpu.memory_space<vmem>>, vector<16xf32>,
      tpu.vector_store %arg17[%swap3A_143], %broadcast_in_dim3A_10 {strides = array<i32>} : memref<10240xf32, #tpu.memory_space<vmem>>, vector<16xf32>,
      %scan3A_145 = arith.constant 0 : i32
      scf.yield %scan3A_145 : i32
    }
    %scan3A_16 = arith.constant 640 : i32
    %lt3A = arith.constant 2 : i32
    %lt3A_17 = arith.cmpi slt, %arg1, %lt3A : i32
    %jit3A = arith.constant 1 : i32
    %jit3A_18 = arith.constant 0 : i32
    %select_n3A = arith.select %lt3A_17, %jit3A, %jit3A_18 : i32
    %add3A = arith.constant 78 : i32
    %add3A_19 = arith.addi %add3A, %select_n3A : i32
    %while3A = arith.constant 0 : i32
    %while3A_20 = arith.constant 0 : i32
    %while3A_21 = arith.subi %add3A_19, %while3A : i32
    %while3A_22 = arith.addi %while3A, %while3A_21 : i32
    %while3A_23 = arith.constant 1 : i32
    %while3A_24 = arith.divsi %while3A_21, %while3A_23 : i32
    %while3A_25 = arith.muli %while3A_24, %while3A_23 : i32
    %while3A_26 = arith.addi %while3A, %while3A_25 : i32
    %while3A_27 = arith.constant 1 : i32
    %while3A_28 = scf.for %while3A_139 = %while3A to %while3A_26 step %while3A_27 iter_args(%while3A_140 = %while3A_20) -> (i32)  : i32 {
      %mul3A_141 = arith.constant 16 : i32
      %mul3A_142 = arith.muli %while3A_139, %mul3A_141 : i32
      %add3A_143 = arith.addi %arg1, %mul3A_142 : i32
      %mul3A_144 = arith.constant 8 : i32
      %mul3A_145 = arith.muli %add3A_143, %mul3A_144 : i32
      %mul3A_146 = arith.constant 10000 : i32
      %mul3A_147 = arith.muli %arg0, %mul3A_146 : i32
      %add3A_148 = arith.addi %mul3A_147, %mul3A_145 : i32
      "tpu.region"() ({
        %run_scoped3A = tpu.sem_alloc : memref<!tpu.dma_semaphore, #tpu.memory_space<semaphore_mem>>
        %dma_start3A_150 = arith.constant 0 : i32
        %dma_start3A_151 = tpu.memref_slice %arg21[%mul3A_145, %dma_start3A_150] : memref<10008x64xf32, #tpu.memory_space<vmem_shared>> -> memref<8x64xf32, #tpu.memory_space<vmem_shared>>
        %dma_start3A_152 = arith.constant 0 : i32
        %dma_start3A_153 = tpu.memref_slice %arg7[%add3A_148, %dma_start3A_152] : memref<20000x64xf32, #tpu.memory_space<hbm>> -> memref<8x64xf32, #tpu.memory_space<hbm>>
        tpu.enqueue_dma source(%dma_start3A_153 : memref<8x64xf32, #tpu.memory_space<hbm>>) target(%dma_start3A_151 : memref<8x64xf32, #tpu.memory_space<vmem_shared>>) target_semaphore(%run_scoped3A : memref<!tpu.dma_semaphore, #tpu.memory_space<semaphore_mem>>)
        %dma_wait3A_154 = arith.constant 0 : i32
        %dma_wait3A_155 = tpu.memref_slice %arg21[%mul3A_145, %dma_wait3A_154] : memref<10008x64xf32, #tpu.memory_space<vmem_shared>> -> memref<8x64xf32, #tpu.memory_space<vmem_shared>>
        %dma_wait3A_156 = arith.constant 0 : i32
        %dma_wait3A_157 = tpu.memref_slice %arg7[%add3A_148, %dma_wait3A_156] : memref<20000x64xf32, #tpu.memory_space<hbm>> -> memref<8x64xf32, #tpu.memory_space<hbm>>
        tpu.wait_dma2 semaphore(%run_scoped3A : memref<!tpu.dma_semaphore, #tpu.memory_space<semaphore_mem>>) src(%dma_wait3A_157 : memref<8x64xf32, #tpu.memory_space<hbm>>) dst(%dma_wait3A_155 : memref<8x64xf32, #tpu.memory_space<vmem_shared>>)
        tpu.yield
      }) : () -> ()
      %while3A_149 = arith.constant 0 : i32
      scf.yield %while3A_149 : i32
    }
    %while3A_29 = arith.constant 1 : i32
    %while3A_30 = scf.for %while3A_139 = %while3A_26 to %while3A_22 step %while3A_29 iter_args(%while3A_140 = %while3A_28) -> (i32)  : i32 {
      %mul3A_141 = arith.constant 16 : i32
      %mul3A_142 = arith.muli %while3A_139, %mul3A_141 : i32
      %add3A_143 = arith.addi %arg1, %mul3A_142 : i32
      %mul3A_144 = arith.constant 8 : i32
      %mul3A_145 = arith.muli %add3A_143, %mul3A_144 : i32
      %mul3A_146 = arith.constant 10000 : i32
      %mul3A_147 = arith.muli %arg0, %mul3A_146 : i32
      %add3A_148 = arith.addi %mul3A_147, %mul3A_145 : i32
      "tpu.region"() ({
        %run_scoped3A = tpu.sem_alloc : memref<!tpu.dma_semaphore, #tpu.memory_space<semaphore_mem>>
        %dma_start3A_150 = arith.constant 0 : i32
        %dma_start3A_151 = tpu.memref_slice %arg21[%mul3A_145, %dma_start3A_150] : memref<10008x64xf32, #tpu.memory_space<vmem_shared>> -> memref<8x64xf32, #tpu.memory_space<vmem_shared>>
        %dma_start3A_152 = arith.constant 0 : i32
        %dma_start3A_153 = tpu.memref_slice %arg7[%add3A_148, %dma_start3A_152] : memref<20000x64xf32, #tpu.memory_space<hbm>> -> memref<8x64xf32, #tpu.memory_space<hbm>>
        tpu.enqueue_dma source(%dma_start3A_153 : memref<8x64xf32, #tpu.memory_space<hbm>>) target(%dma_start3A_151 : memref<8x64xf32, #tpu.memory_space<vmem_shared>>) target_semaphore(%run_scoped3A : memref<!tpu.dma_semaphore, #tpu.memory_space<semaphore_mem>>)
        %dma_wait3A_154 = arith.constant 0 : i32
        %dma_wait3A_155 = tpu.memref_slice %arg21[%mul3A_145, %dma_wait3A_154] : memref<10008x64xf32, #tpu.memory_space<vmem_shared>> -> memref<8x64xf32, #tpu.memory_space<vmem_shared>>
        %dma_wait3A_156 = arith.constant 0 : i32
        %dma_wait3A_157 = tpu.memref_slice %arg7[%add3A_148, %dma_wait3A_156] : memref<20000x64xf32, #tpu.memory_space<hbm>> -> memref<8x64xf32, #tpu.memory_space<hbm>>
        tpu.wait_dma2 semaphore(%run_scoped3A : memref<!tpu.dma_semaphore, #tpu.memory_space<semaphore_mem>>) src(%dma_wait3A_157 : memref<8x64xf32, #tpu.memory_space<hbm>>) dst(%dma_wait3A_155 : memref<8x64xf32, #tpu.memory_space<vmem_shared>>)
        tpu.yield
      }) : () -> ()
      %while3A_149 = arith.constant 0 : i32
      scf.yield %while3A_149 : i32
    }
    %barrier3A = arith.constant 0 : index
    tpu.barrier barrier_id(%barrier3A)
    %get3A = arith.constant 0 : index
    %get3A_31 = tpu.vector_load %arg12[%get3A] {strides = array<i32>} : memref<16xf32, #tpu.memory_space<vmem>>, vector<16xf32>,
    %mul3A_32 = arith.constant 20224 : i32
    %mul3A_33 = arith.muli %arg1, %mul3A_32 : i32
    %dma_start3A = arith.constant 0 : i32
    %dma_start3A_34 = arith.constant 0 : i32
    %dma_start3A_35 = arith.constant 0 : i32
    %dma_start3A_36 = tpu.memref_slice %arg13[%dma_start3A_34, %dma_start3A_35] : memref<2x128xi32, #tpu.memory_space<vmem>> -> memref<1x128xi32, #tpu.memory_space<vmem>>
    %dma_start3A_37 = tpu.memref_squeeze %dma_start3A_36 : memref<1x128xi32, #tpu.memory_space<vmem>> -> memref<128xi32, #tpu.memory_space<vmem>>
    %dma_start3A_38 = arith.constant 0 : i32
    %dma_start3A_39 = tpu.memref_slice %arg2[%arg0, %arg1, %dma_start3A, %dma_start3A_38] : memref<2x16x158x128xi32, #tpu.memory_space<hbm>> -> memref<1x1x1x128xi32, #tpu.memory_space<hbm>>
    %dma_start3A_40 = tpu.memref_squeeze %dma_start3A_39 : memref<1x1x1x128xi32, #tpu.memory_space<hbm>> -> memref<128xi32, #tpu.memory_space<hbm>>
    %dma_start3A_41 = arith.constant 0 : i32
    %dma_start3A_42 = tpu.memref_slice %arg13[%dma_start3A_34, %dma_start3A_41] : memref<2x128xi32, #tpu.memory_space<vmem>> -> memref<1x128xi32, #tpu.memory_space<vmem>>
    %dma_start3A_43 = tpu.memref_squeeze %dma_start3A_42 : memref<1x128xi32, #tpu.memory_space<vmem>> -> memref<128xi32, #tpu.memory_space<vmem>>
    %dma_start3A_44 = arith.constant 0 : i32
    %dma_start3A_45 = tpu.memref_slice %arg2[%arg0, %arg1, %dma_start3A, %dma_start3A_44] : memref<2x16x158x128xi32, #tpu.memory_space<hbm>> -> memref<1x1x1x128xi32, #tpu.memory_space<hbm>>
    %dma_start3A_46 = tpu.memref_squeeze %dma_start3A_45 : memref<1x1x1x128xi32, #tpu.memory_space<hbm>> -> memref<128xi32, #tpu.memory_space<hbm>>
    tpu.enqueue_dma source(%dma_start3A_46 : memref<128xi32, #tpu.memory_space<hbm>>) target(%dma_start3A_43 : memref<128xi32, #tpu.memory_space<vmem>>) target_semaphore(%arg23 : memref<!tpu.dma_semaphore, #tpu.memory_space<semaphore_mem>>)
    %sub3A = arith.constant 1 : i32
    %sub3A_47 = arith.subi %sub3A, %arg0 : i32
    %dma_start3A_48 = arith.constant 0 : i32
    %dma_start3A_49 = arith.constant 0 : i32
    %dma_start3A_50 = arith.constant 0 : i32
    %dma_start3A_51 = tpu.memref_slice %arg14[%dma_start3A_49, %dma_start3A_50] : memref<4x128xi32, #tpu.memory_space<vmem>> -> memref<1x128xi32, #tpu.memory_space<vmem>>
    %dma_start3A_52 = tpu.memref_squeeze %dma_start3A_51 : memref<1x128xi32, #tpu.memory_space<vmem>> -> memref<128xi32, #tpu.memory_space<vmem>>
    %dma_start3A_53 = arith.constant 0 : i32
    %dma_start3A_54 = tpu.memref_slice %arg2[%sub3A_47, %arg1, %dma_start3A_48, %dma_start3A_53] : memref<2x16x158x128xi32, #tpu.memory_space<hbm>> -> memref<1x1x1x128xi32, #tpu.memory_space<hbm>>
    %dma_start3A_55 = tpu.memref_squeeze %dma_start3A_54 : memref<1x1x1x128xi32, #tpu.memory_space<hbm>> -> memref<128xi32, #tpu.memory_space<hbm>>
    %dma_start3A_56 = arith.constant 0 : i32
    %dma_start3A_57 = tpu.memref_slice %arg14[%dma_start3A_49, %dma_start3A_56] : memref<4x128xi32, #tpu.memory_space<vmem>> -> memref<1x128xi32, #tpu.memory_space<vmem>>
    %dma_start3A_58 = tpu.memref_squeeze %dma_start3A_57 : memref<1x128xi32, #tpu.memory_space<vmem>> -> memref<128xi32, #tpu.memory_space<vmem>>
    %dma_start3A_59 = arith.constant 0 : i32
    %dma_start3A_60 = tpu.memref_slice %arg2[%sub3A_47, %arg1, %dma_start3A_48, %dma_start3A_59] : memref<2x16x158x128xi32, #tpu.memory_space<hbm>> -> memref<1x1x1x128xi32, #tpu.memory_space<hbm>>
    %dma_start3A_61 = tpu.memref_squeeze %dma_start3A_60 : memref<1x1x1x128xi32, #tpu.memory_space<hbm>> -> memref<128xi32, #tpu.memory_space<hbm>>
    tpu.enqueue_dma source(%dma_start3A_61 : memref<128xi32, #tpu.memory_space<hbm>>) target(%dma_start3A_58 : memref<128xi32, #tpu.memory_space<vmem>>) target_semaphore(%arg23 : memref<!tpu.dma_semaphore, #tpu.memory_space<semaphore_mem>>)
    %dma_start3A_62 = arith.constant 1 : i32
    %dma_start3A_63 = arith.constant 1 : i32
    %dma_start3A_64 = arith.constant 0 : i32
    %dma_start3A_65 = tpu.memref_slice %arg13[%dma_start3A_63, %dma_start3A_64] : memref<2x128xi32, #tpu.memory_space<vmem>> -> memref<1x128xi32, #tpu.memory_space<vmem>>
    %dma_start3A_66 = tpu.memref_squeeze %dma_start3A_65 : memref<1x128xi32, #tpu.memory_space<vmem>> -> memref<128xi32, #tpu.memory_space<vmem>>
    %dma_start3A_67 = arith.constant 0 : i32
    %dma_start3A_68 = tpu.memref_slice %arg2[%arg0, %arg1, %dma_start3A_62, %dma_start3A_67] : memref<2x16x158x128xi32, #tpu.memory_space<hbm>> -> memref<1x1x1x128xi32, #tpu.memory_space<hbm>>
    %dma_start3A_69 = tpu.memref_squeeze %dma_start3A_68 : memref<1x1x1x128xi32, #tpu.memory_space<hbm>> -> memref<128xi32, #tpu.memory_space<hbm>>
    %dma_start3A_70 = arith.constant 0 : i32
    %dma_start3A_71 = tpu.memref_slice %arg13[%dma_start3A_63, %dma_start3A_70] : memref<2x128xi32, #tpu.memory_space<vmem>> -> memref<1x128xi32, #tpu.memory_space<vmem>>
    %dma_start3A_72 = tpu.memref_squeeze %dma_start3A_71 : memref<1x128xi32, #tpu.memory_space<vmem>> -> memref<128xi32, #tpu.memory_space<vmem>>
    %dma_start3A_73 = arith.constant 0 : i32
    %dma_start3A_74 = tpu.memref_slice %arg2[%arg0, %arg1, %dma_start3A_62, %dma_start3A_73] : memref<2x16x158x128xi32, #tpu.memory_space<hbm>> -> memref<1x1x1x128xi32, #tpu.memory_space<hbm>>
    %dma_start3A_75 = tpu.memref_squeeze %dma_start3A_74 : memref<1x1x1x128xi32, #tpu.memory_space<hbm>> -> memref<128xi32, #tpu.memory_space<hbm>>
    tpu.enqueue_dma source(%dma_start3A_75 : memref<128xi32, #tpu.memory_space<hbm>>) target(%dma_start3A_72 : memref<128xi32, #tpu.memory_space<vmem>>) target_semaphore(%arg24 : memref<!tpu.dma_semaphore, #tpu.memory_space<semaphore_mem>>)
    %sub3A_76 = arith.constant 1 : i32
    %sub3A_77 = arith.subi %sub3A_76, %arg0 : i32
    %dma_start3A_78 = arith.constant 1 : i32
    %dma_start3A_79 = arith.constant 1 : i32
    %dma_start3A_80 = arith.constant 0 : i32
    %dma_start3A_81 = tpu.memref_slice %arg14[%dma_start3A_79, %dma_start3A_80] : memref<4x128xi32, #tpu.memory_space<vmem>> -> memref<1x128xi32, #tpu.memory_space<vmem>>
    %dma_start3A_82 = tpu.memref_squeeze %dma_start3A_81 : memref<1x128xi32, #tpu.memory_space<vmem>> -> memref<128xi32, #tpu.memory_space<vmem>>
    %dma_start3A_83 = arith.constant 0 : i32
    %dma_start3A_84 = tpu.memref_slice %arg2[%sub3A_77, %arg1, %dma_start3A_78, %dma_start3A_83] : memref<2x16x158x128xi32, #tpu.memory_space<hbm>> -> memref<1x1x1x128xi32, #tpu.memory_space<hbm>>
    %dma_start3A_85 = tpu.memref_squeeze %dma_start3A_84 : memref<1x1x1x128xi32, #tpu.memory_space<hbm>> -> memref<128xi32, #tpu.memory_space<hbm>>
    %dma_start3A_86 = arith.constant 0 : i32
    %dma_start3A_87 = tpu.memref_slice %arg14[%dma_start3A_79, %dma_start3A_86] : memref<4x128xi32, #tpu.memory_space<vmem>> -> memref<1x128xi32, #tpu.memory_space<vmem>>
    %dma_start3A_88 = tpu.memref_squeeze %dma_start3A_87 : memref<1x128xi32, #tpu.memory_space<vmem>> -> memref<128xi32, #tpu.memory_space<vmem>>
    %dma_start3A_89 = arith.constant 0 : i32
    %dma_start3A_90 = tpu.memref_slice %arg2[%sub3A_77, %arg1, %dma_start3A_78, %dma_start3A_89] : memref<2x16x158x128xi32, #tpu.memory_space<hbm>> -> memref<1x1x1x128xi32, #tpu.memory_space<hbm>>
    %dma_start3A_91 = tpu.memref_squeeze %dma_start3A_90 : memref<1x1x1x128xi32, #tpu.memory_space<hbm>> -> memref<128xi32, #tpu.memory_space<hbm>>
    tpu.enqueue_dma source(%dma_start3A_91 : memref<128xi32, #tpu.memory_space<hbm>>) target(%dma_start3A_88 : memref<128xi32, #tpu.memory_space<vmem>>) target_semaphore(%arg24 : memref<!tpu.dma_semaphore, #tpu.memory_space<semaphore_mem>>)
    %scan3A_92 = arith.constant 0 : i32
    %scan3A_93 = arith.constant 0 : i32
    %scan3A_94 = arith.constant 79 : i32
    %scan3A_95 = arith.addi %scan3A_93, %scan3A_94 : i32
    %scan3A_96 = arith.constant 1 : i32
    %scan3A_97 = scf.for %scan3A_139 = %scan3A_93 to %scan3A_95 step %scan3A_96 iter_args(%scan3A_140 = %scan3A_92) -> (i32)  : i32 {
      %jit3A_141 = arith.constant 2 : i32
      %eq3A = arith.constant 0 : i32
      %eq3A_142 = arith.cmpi eq, %jit3A_141, %eq3A : i32
      %jit3A_143 = arith.constant 1 : i32
      %select_n3A_144 = arith.select %eq3A_142, %jit3A_143, %jit3A_141 : i32
      %rem3A = arith.remsi %scan3A_139, %select_n3A_144 : i32
      %ne3A = arith.constant 0 : i32
      %ne3A_145 = arith.cmpi ne, %rem3A, %ne3A : i32
      %lt3A_146 = arith.constant 0 : i32
      %lt3A_147 = arith.cmpi slt, %rem3A, %lt3A_146 : i32
      %lt3A_148 = arith.constant 0 : i32
      %lt3A_149 = arith.cmpi slt, %select_n3A_144, %lt3A_148 : i32
      %ne3A_150 = arith.xori %lt3A_147, %lt3A_149 : i1
      %and3A = arith.andi %ne3A_150, %ne3A_145 : i1
      %add3A_151 = arith.addi %rem3A, %select_n3A_144 : i32
      %select_n3A_152 = arith.select %and3A, %add3A_151, %rem3A : i32
      %mul3A_153 = arith.constant 2 : i32
      %mul3A_154 = arith.muli %mul3A_153, %select_n3A_152 : i32
      %mul3A_155 = arith.constant 2 : i32
      %mul3A_156 = arith.muli %mul3A_155, %scan3A_139 : i32
      %add3A_157 = arith.constant 0 : i32
      %add3A_158 = arith.addi %mul3A_156, %add3A_157 : i32
      %add3A_159 = arith.constant 0 : i32
      %add3A_160 = arith.addi %mul3A_154, %add3A_159 : i32
      %dma_wait3A_161 = arith.constant 0 : i32
      %dma_wait3A_162 = arith.constant 0 : i32
      %dma_wait3A_163 = tpu.memref_slice %arg13[%dma_wait3A_161, %dma_wait3A_162] : memref<2x128xi32, #tpu.memory_space<vmem>> -> memref<1x128xi32, #tpu.memory_space<vmem>>
      %dma_wait3A_164 = tpu.memref_squeeze %dma_wait3A_163 : memref<1x128xi32, #tpu.memory_space<vmem>> -> memref<128xi32, #tpu.memory_space<vmem>>
      %dma_wait3A_165 = arith.constant 0 : i32
      %dma_wait3A_166 = tpu.memref_slice %arg2[%arg0, %arg1, %add3A_158, %dma_wait3A_165] : memref<2x16x158x128xi32, #tpu.memory_space<hbm>> -> memref<1x1x1x128xi32, #tpu.memory_space<hbm>>
      %dma_wait3A_167 = tpu.memref_squeeze %dma_wait3A_166 : memref<1x1x1x128xi32, #tpu.memory_space<hbm>> -> memref<128xi32, #tpu.memory_space<hbm>>
      %dma_wait3A_168 = arith.constant 0 : i32
      %dma_wait3A_169 = tpu.memref_slice %arg13[%dma_wait3A_161, %dma_wait3A_168] : memref<2x128xi32, #tpu.memory_space<vmem>> -> memref<1x128xi32, #tpu.memory_space<vmem>>
      %dma_wait3A_170 = tpu.memref_squeeze %dma_wait3A_169 : memref<1x128xi32, #tpu.memory_space<vmem>> -> memref<128xi32, #tpu.memory_space<vmem>>
      %dma_wait3A_171 = arith.constant 0 : i32
      %dma_wait3A_172 = tpu.memref_slice %arg2[%arg0, %arg1, %add3A_158, %dma_wait3A_171] : memref<2x16x158x128xi32, #tpu.memory_space<hbm>> -> memref<1x1x1x128xi32, #tpu.memory_space<hbm>>
      %dma_wait3A_173 = tpu.memref_squeeze %dma_wait3A_172 : memref<1x1x1x128xi32, #tpu.memory_space<hbm>> -> memref<128xi32, #tpu.memory_space<hbm>>
      tpu.wait_dma2 semaphore(%arg23 : memref<!tpu.dma_semaphore, #tpu.memory_space<semaphore_mem>>) src(%dma_wait3A_173 : memref<128xi32, #tpu.memory_space<hbm>>) dst(%dma_wait3A_170 : memref<128xi32, #tpu.memory_space<vmem>>)
      %sub3A_174 = arith.constant 1 : i32
      %sub3A_175 = arith.subi %sub3A_174, %arg0 : i32
      %dma_wait3A_176 = arith.constant 0 : i32
      %dma_wait3A_177 = tpu.memref_slice %arg14[%add3A_160, %dma_wait3A_176] : memref<4x128xi32, #tpu.memory_space<vmem>> -> memref<1x128xi32, #tpu.memory_space<vmem>>
      %dma_wait3A_178 = tpu.memref_squeeze %dma_wait3A_177 : memref<1x128xi32, #tpu.memory_space<vmem>> -> memref<128xi32, #tpu.memory_space<vmem>>
      %dma_wait3A_179 = arith.constant 0 : i32
      %dma_wait3A_180 = tpu.memref_slice %arg2[%sub3A_175, %arg1, %add3A_158, %dma_wait3A_179] : memref<2x16x158x128xi32, #tpu.memory_space<hbm>> -> memref<1x1x1x128xi32, #tpu.memory_space<hbm>>
      %dma_wait3A_181 = tpu.memref_squeeze %dma_wait3A_180 : memref<1x1x1x128xi32, #tpu.memory_space<hbm>> -> memref<128xi32, #tpu.memory_space<hbm>>
      %dma_wait3A_182 = arith.constant 0 : i32
      %dma_wait3A_183 = tpu.memref_slice %arg14[%add3A_160, %dma_wait3A_182] : memref<4x128xi32, #tpu.memory_space<vmem>> -> memref<1x128xi32, #tpu.memory_space<vmem>>
      %dma_wait3A_184 = tpu.memref_squeeze %dma_wait3A_183 : memref<1x128xi32, #tpu.memory_space<vmem>> -> memref<128xi32, #tpu.memory_space<vmem>>
      %dma_wait3A_185 = arith.constant 0 : i32
      %dma_wait3A_186 = tpu.memref_slice %arg2[%sub3A_175, %arg1, %add3A_158, %dma_wait3A_185] : memref<2x16x158x128xi32, #tpu.memory_space<hbm>> -> memref<1x1x1x128xi32, #tpu.memory_space<hbm>>
      %dma_wait3A_187 = tpu.memref_squeeze %dma_wait3A_186 : memref<1x1x1x128xi32, #tpu.memory_space<hbm>> -> memref<128xi32, #tpu.memory_space<hbm>>
      tpu.wait_dma2 semaphore(%arg23 : memref<!tpu.dma_semaphore, #tpu.memory_space<semaphore_mem>>) src(%dma_wait3A_187 : memref<128xi32, #tpu.memory_space<hbm>>) dst(%dma_wait3A_184 : memref<128xi32, #tpu.memory_space<vmem>>)
      %add3A_188 = arith.constant 0 : i32
      %add3A_189 = arith.addi %mul3A_154, %add3A_188 : i32
      %scan3A_190 = arith.constant 0 : i32
      %scan3A_191 = arith.constant 0 : i32
      %scan3A_192 = arith.constant 8 : i32
      %scan3A_193 = arith.addi %scan3A_191, %scan3A_192 : i32
      %scan3A_194 = arith.constant 1 : i32
      %scan3A_195 = scf.for %scan3A_310 = %scan3A_191 to %scan3A_193 step %scan3A_194 iter_args(%scan3A_311 = %scan3A_190) -> (i32)  : i32 {
        %mul3A_312 = arith.constant 16 : i32
        %mul3A_313 = arith.muli %scan3A_310, %mul3A_312 : i32
        %get3A_314 = arith.constant 0 : i32
        %get3A_315 = arith.index_cast %get3A_314 : i32 to index
        %get3A_316 = arith.index_cast %mul3A_313 : i32 to index
        %get3A_317 = tpu.vector_load %arg13[%get3A_315, %get3A_316] {strides = array<i32>} : memref<2x128xi32, #tpu.memory_space<vmem>>, vector<16xi32>,
        %get3A_318 = arith.index_cast %add3A_189 : i32 to index
        %get3A_319 = arith.index_cast %mul3A_313 : i32 to index
        %get3A_320 = tpu.vector_load %arg14[%get3A_318, %get3A_319] {strides = array<i32>} : memref<4x128xi32, #tpu.memory_space<vmem>>, vector<16xi32>,
        %gather3A = tpu.vector_load_idx %arg10[%get3A_317] : memref<10016xf32, #tpu.memory_space<vmem>>[vector<16xi32>], vector<16xf32>,
        %gather3A_321 = tpu.vector_load_idx %arg11[%get3A_320] : memref<10016xf32, #tpu.memory_space<vmem>>[vector<16xi32>], vector<16xf32>,
        %add3A_322 = arith.addf %gather3A, %gather3A_321 : vector<16xf32>
        %ge3A = arith.constant 0.000000e+00 : f32
        %ge3A_323 = vector.broadcast %ge3A : f32 to vector<16xf32>
        %ge3A_324 = arith.cmpf oge, %add3A_322, %ge3A_323 : vector<16xf32>
        %mul3A_325 = arith.constant 2.000000e-01 : f32
        %mul3A_326 = vector.broadcast %mul3A_325 : f32 to vector<16xf32>
        %mul3A_327 = arith.mulf %mul3A_326, %add3A_322 : vector<16xf32>
        %select_n3A_328 = arith.select %ge3A_324, %add3A_322, %mul3A_327 : vector<16xi1>, vector<16xf32>
        %sub3A_329 = arith.subf %select_n3A_328, %get3A_31 : vector<16xf32>
        %exp3A = math.exp %sub3A_329 : vector<16xf32>
        %mul3A_330 = arith.constant 128 : i32
        %mul3A_331 = arith.muli %add3A_158, %mul3A_330 : i32
        %add3A_332 = arith.addi %mul3A_33, %mul3A_331 : i32
        %mul3A_333 = arith.constant 16 : i32
        %mul3A_334 = arith.muli %scan3A_310, %mul3A_333 : i32
        %add3A_335 = arith.addi %add3A_332, %mul3A_334 : i32
        %iota3A = tpu.iota {dimensions = array<i32: 0>} : vector<16xi32>
        %add3A_336 = vector.broadcast %add3A_335 : i32 to vector<16xi32>
        %add3A_337 = arith.addi %add3A_336, %iota3A : vector<16xi32>
        %lt3A_338 = arith.constant 320000 : i32
        %lt3A_339 = vector.broadcast %lt3A_338 : i32 to vector<16xi32>
        %lt3A_340 = arith.cmpi slt, %add3A_337, %lt3A_339 : vector<16xi32>
        %jit3A_341 = arith.constant 0.000000e+00 : f32
        %broadcast_in_dim3A_342 = vector.broadcast %jit3A_341 : f32 to vector<16xf32>
        %select_n3A_343 = arith.select %lt3A_340, %exp3A, %broadcast_in_dim3A_342 : vector<16xi1>, vector<16xf32>
        %swap3A_344 = arith.constant 0 : i32
        %swap3A_345 = arith.index_cast %swap3A_344 : i32 to index
        %swap3A_346 = arith.index_cast %mul3A_313 : i32 to index
        %swap3A_347 = tpu.vector_load %arg16[%swap3A_345, %swap3A_346] {strides = array<i32>} : memref<2x144xf32, #tpu.memory_space<vmem>>, vector<16xf32>,
        tpu.vector_store %arg16[%swap3A_345, %swap3A_346], %select_n3A_343 {strides = array<i32>} : memref<2x144xf32, #tpu.memory_space<vmem>>, vector<16xf32>,
        %add3A_348 = vector.broadcast %multiple_of3A : i32 to vector<16xi32>
        %add3A_349 = arith.addi %get3A_317, %add3A_348 : vector<16xi32>
        %swap3A_350 = arith.constant 0 : i32
        %swap3A_351 = arith.index_cast %swap3A_350 : i32 to index
        %swap3A_352 = arith.index_cast %mul3A_313 : i32 to index
        %swap3A_353 = tpu.vector_load %arg15[%swap3A_351, %swap3A_352] {strides = array<i32>} : memref<2x128xi32, #tpu.memory_space<vmem>>, vector<16xi32>,
        tpu.vector_store %arg15[%swap3A_351, %swap3A_352], %add3A_349 {strides = array<i32>} : memref<2x128xi32, #tpu.memory_space<vmem>>, vector<16xi32>,
        tpu.vector_store_idx %arg17[%get3A_320], %select_n3A_343 {add = true} : memref<10240xf32, #tpu.memory_space<vmem>>[vector<16xi32>], vector<16xf32>,
        %scan3A_354 = arith.constant 0 : i32
        scf.yield %scan3A_354 : i32
      }
      %scan3A_196 = arith.constant 8 : i32
      %gt3A = arith.constant 0 : i32
      %gt3A_197 = arith.cmpi sgt, %scan3A_139, %gt3A : i32
      %convert_element_type3A = arith.extui %gt3A_197 : i1 to i32
      %cond3A = arith.constant 0 : i32
      %cond3A_198 = arith.cmpi ne, %convert_element_type3A, %cond3A : i32
      scf.if %cond3A_198 {
        %sub3A_310 = arith.constant 1 : i32
        %sub3A_311 = arith.subi %sub3A_310, %select_n3A_152 : i32
        %mul3A_312 = arith.constant 2 : i32
        %mul3A_313 = arith.muli %mul3A_312, %sub3A_311 : i32
        %add3A_314 = arith.constant 0 : i32
        %add3A_315 = arith.addi %mul3A_313, %add3A_314 : i32
        %dma_wait3A_316 = arith.constant 0 : i32
        %dma_wait3A_317 = tpu.memref_slice %arg14[%add3A_315, %dma_wait3A_316] : memref<4x128xi32, #tpu.memory_space<vmem>> -> memref<1x128xi32, #tpu.memory_space<vmem>>
        %dma_wait3A_318 = tpu.memref_squeeze %dma_wait3A_317 : memref<1x128xi32, #tpu.memory_space<vmem>> -> memref<128xi32, #tpu.memory_space<vmem>>
        %dma_wait3A_319 = arith.constant 0 : i32
        %dma_wait3A_320 = arith.constant 0 : i32
        %dma_wait3A_321 = tpu.memref_slice %arg21[%dma_wait3A_319, %dma_wait3A_320] : memref<10008x64xf32, #tpu.memory_space<vmem_shared>> -> memref<10008x64xf32, #tpu.memory_space<vmem_shared>>
        tpu.wait_indirect_dma semaphore(%arg31 : memref<!tpu.dma_semaphore, #tpu.memory_space<semaphore_mem>>) src(%arg19 : memref<128x64xf32, #tpu.memory_space<vmem>>) dst(%dma_wait3A_321 : memref<10008x64xf32, #tpu.memory_space<vmem_shared>>)
      } else {
      }
      %dma_start3A_199 = arith.constant 0 : i32
      %dma_start3A_200 = arith.constant 0 : i32
      %dma_start3A_201 = tpu.memref_slice %arg15[%dma_start3A_199, %dma_start3A_200] : memref<2x128xi32, #tpu.memory_space<vmem>> -> memref<1x128xi32, #tpu.memory_space<vmem>>
      %dma_start3A_202 = tpu.memref_squeeze %dma_start3A_201 : memref<1x128xi32, #tpu.memory_space<vmem>> -> memref<128xi32, #tpu.memory_space<vmem>>
      %dma_start3A_203 = arith.constant 0 : i32
      %dma_start3A_204 = arith.constant 0 : i32
      %dma_start3A_205 = tpu.memref_slice %arg6[%dma_start3A_203, %dma_start3A_204] : memref<20000x64xf32, #tpu.memory_space<hbm>> -> memref<20000x64xf32, #tpu.memory_space<hbm>>
      tpu.enqueue_indirect_dma source(%dma_start3A_205 : memref<20000x64xf32, #tpu.memory_space<hbm>>) target(%arg19 : memref<128x64xf32, #tpu.memory_space<vmem>>) offsets(%dma_start3A_202 : memref<128xi32, #tpu.memory_space<vmem>>) semaphore(%arg27 : memref<!tpu.dma_semaphore, #tpu.memory_space<semaphore_mem>>)
      %mul3A_206 = arith.constant 2 : i32
      %mul3A_207 = arith.muli %mul3A_206, %scan3A_139 : i32
      %add3A_208 = arith.constant 1 : i32
      %add3A_209 = arith.addi %mul3A_207, %add3A_208 : i32
      %add3A_210 = arith.constant 1 : i32
      %add3A_211 = arith.addi %mul3A_154, %add3A_210 : i32
      %dma_wait3A_212 = arith.constant 1 : i32
      %dma_wait3A_213 = arith.constant 0 : i32
      %dma_wait3A_214 = tpu.memref_slice %arg13[%dma_wait3A_212, %dma_wait3A_213] : memref<2x128xi32, #tpu.memory_space<vmem>> -> memref<1x128xi32, #tpu.memory_space<vmem>>
      %dma_wait3A_215 = tpu.memref_squeeze %dma_wait3A_214 : memref<1x128xi32, #tpu.memory_space<vmem>> -> memref<128xi32, #tpu.memory_space<vmem>>
      %dma_wait3A_216 = arith.constant 0 : i32
      %dma_wait3A_217 = tpu.memref_slice %arg2[%arg0, %arg1, %add3A_209, %dma_wait3A_216] : memref<2x16x158x128xi32, #tpu.memory_space<hbm>> -> memref<1x1x1x128xi32, #tpu.memory_space<hbm>>
      %dma_wait3A_218 = tpu.memref_squeeze %dma_wait3A_217 : memref<1x1x1x128xi32, #tpu.memory_space<hbm>> -> memref<128xi32, #tpu.memory_space<hbm>>
      %dma_wait3A_219 = arith.constant 0 : i32
      %dma_wait3A_220 = tpu.memref_slice %arg13[%dma_wait3A_212, %dma_wait3A_219] : memref<2x128xi32, #tpu.memory_space<vmem>> -> memref<1x128xi32, #tpu.memory_space<vmem>>
      %dma_wait3A_221 = tpu.memref_squeeze %dma_wait3A_220 : memref<1x128xi32, #tpu.memory_space<vmem>> -> memref<128xi32, #tpu.memory_space<vmem>>
      %dma_wait3A_222 = arith.constant 0 : i32
      %dma_wait3A_223 = tpu.memref_slice %arg2[%arg0, %arg1, %add3A_209, %dma_wait3A_222] : memref<2x16x158x128xi32, #tpu.memory_space<hbm>> -> memref<1x1x1x128xi32, #tpu.memory_space<hbm>>
      %dma_wait3A_224 = tpu.memref_squeeze %dma_wait3A_223 : memref<1x1x1x128xi32, #tpu.memory_space<hbm>> -> memref<128xi32, #tpu.memory_space<hbm>>
      tpu.wait_dma2 semaphore(%arg24 : memref<!tpu.dma_semaphore, #tpu.memory_space<semaphore_mem>>) src(%dma_wait3A_224 : memref<128xi32, #tpu.memory_space<hbm>>) dst(%dma_wait3A_221 : memref<128xi32, #tpu.memory_space<vmem>>)
      %sub3A_225 = arith.constant 1 : i32
      %sub3A_226 = arith.subi %sub3A_225, %arg0 : i32
      %dma_wait3A_227 = arith.constant 0 : i32
      %dma_wait3A_228 = tpu.memref_slice %arg14[%add3A_211, %dma_wait3A_227] : memref<4x128xi32, #tpu.memory_space<vmem>> -> memref<1x128xi32, #tpu.memory_space<vmem>>
      %dma_wait3A_229 = tpu.memref_squeeze %dma_wait3A_228 : memref<1x128xi32, #tpu.memory_space<vmem>> -> memref<128xi32, #tpu.memory_space<vmem>>
      %dma_wait3A_230 = arith.constant 0 : i32
      %dma_wait3A_231 = tpu.memref_slice %arg2[%sub3A_226, %arg1, %add3A_209, %dma_wait3A_230] : memref<2x16x158x128xi32, #tpu.memory_space<hbm>> -> memref<1x1x1x128xi32, #tpu.memory_space<hbm>>
      %dma_wait3A_232 = tpu.memref_squeeze %dma_wait3A_231 : memref<1x1x1x128xi32, #tpu.memory_space<hbm>> -> memref<128xi32, #tpu.memory_space<hbm>>
      %dma_wait3A_233 = arith.constant 0 : i32
      %dma_wait3A_234 = tpu.memref_slice %arg14[%add3A_211, %dma_wait3A_233] : memref<4x128xi32, #tpu.memory_space<vmem>> -> memref<1x128xi32, #tpu.memory_space<vmem>>
      %dma_wait3A_235 = tpu.memref_squeeze %dma_wait3A_234 : memref<1x128xi32, #tpu.memory_space<vmem>> -> memref<128xi32, #tpu.memory_space<vmem>>
      %dma_wait3A_236 = arith.constant 0 : i32
      %dma_wait3A_237 = tpu.memref_slice %arg2[%sub3A_226, %arg1, %add3A_209, %dma_wait3A_236] : memref<2x16x158x128xi32, #tpu.memory_space<hbm>> -> memref<1x1x1x128xi32, #tpu.memory_space<hbm>>
      %dma_wait3A_238 = tpu.memref_squeeze %dma_wait3A_237 : memref<1x1x1x128xi32, #tpu.memory_space<hbm>> -> memref<128xi32, #tpu.memory_space<hbm>>
      tpu.wait_dma2 semaphore(%arg24 : memref<!tpu.dma_semaphore, #tpu.memory_space<semaphore_mem>>) src(%dma_wait3A_238 : memref<128xi32, #tpu.memory_space<hbm>>) dst(%dma_wait3A_235 : memref<128xi32, #tpu.memory_space<vmem>>)
      %add3A_239 = arith.constant 1 : i32
      %add3A_240 = arith.addi %mul3A_154, %add3A_239 : i32
      %scan3A_241 = arith.constant 0 : i32
      %scan3A_242 = arith.constant 0 : i32
      %scan3A_243 = arith.constant 8 : i32
      %scan3A_244 = arith.addi %scan3A_242, %scan3A_243 : i32
      %scan3A_245 = arith.constant 1 : i32
      %scan3A_246 = scf.for %scan3A_310 = %scan3A_242 to %scan3A_244 step %scan3A_245 iter_args(%scan3A_311 = %scan3A_241) -> (i32)  : i32 {
        %mul3A_312 = arith.constant 16 : i32
        %mul3A_313 = arith.muli %scan3A_310, %mul3A_312 : i32
        %get3A_314 = arith.constant 1 : i32
        %get3A_315 = arith.index_cast %get3A_314 : i32 to index
        %get3A_316 = arith.index_cast %mul3A_313 : i32 to index
        %get3A_317 = tpu.vector_load %arg13[%get3A_315, %get3A_316] {strides = array<i32>} : memref<2x128xi32, #tpu.memory_space<vmem>>, vector<16xi32>,
        %get3A_318 = arith.index_cast %add3A_240 : i32 to index
        %get3A_319 = arith.index_cast %mul3A_313 : i32 to index
        %get3A_320 = tpu.vector_load %arg14[%get3A_318, %get3A_319] {strides = array<i32>} : memref<4x128xi32, #tpu.memory_space<vmem>>, vector<16xi32>,
        %gather3A = tpu.vector_load_idx %arg10[%get3A_317] : memref<10016xf32, #tpu.memory_space<vmem>>[vector<16xi32>], vector<16xf32>,
        %gather3A_321 = tpu.vector_load_idx %arg11[%get3A_320] : memref<10016xf32, #tpu.memory_space<vmem>>[vector<16xi32>], vector<16xf32>,
        %add3A_322 = arith.addf %gather3A, %gather3A_321 : vector<16xf32>
        %ge3A = arith.constant 0.000000e+00 : f32
        %ge3A_323 = vector.broadcast %ge3A : f32 to vector<16xf32>
        %ge3A_324 = arith.cmpf oge, %add3A_322, %ge3A_323 : vector<16xf32>
        %mul3A_325 = arith.constant 2.000000e-01 : f32
        %mul3A_326 = vector.broadcast %mul3A_325 : f32 to vector<16xf32>
        %mul3A_327 = arith.mulf %mul3A_326, %add3A_322 : vector<16xf32>
        %select_n3A_328 = arith.select %ge3A_324, %add3A_322, %mul3A_327 : vector<16xi1>, vector<16xf32>
        %sub3A_329 = arith.subf %select_n3A_328, %get3A_31 : vector<16xf32>
        %exp3A = math.exp %sub3A_329 : vector<16xf32>
        %mul3A_330 = arith.constant 128 : i32
        %mul3A_331 = arith.muli %add3A_209, %mul3A_330 : i32
        %add3A_332 = arith.addi %mul3A_33, %mul3A_331 : i32
        %mul3A_333 = arith.constant 16 : i32
        %mul3A_334 = arith.muli %scan3A_310, %mul3A_333 : i32
        %add3A_335 = arith.addi %add3A_332, %mul3A_334 : i32
        %iota3A = tpu.iota {dimensions = array<i32: 0>} : vector<16xi32>
        %add3A_336 = vector.broadcast %add3A_335 : i32 to vector<16xi32>
        %add3A_337 = arith.addi %add3A_336, %iota3A : vector<16xi32>
        %lt3A_338 = arith.constant 320000 : i32
        %lt3A_339 = vector.broadcast %lt3A_338 : i32 to vector<16xi32>
        %lt3A_340 = arith.cmpi slt, %add3A_337, %lt3A_339 : vector<16xi32>
        %jit3A_341 = arith.constant 0.000000e+00 : f32
        %broadcast_in_dim3A_342 = vector.broadcast %jit3A_341 : f32 to vector<16xf32>
        %select_n3A_343 = arith.select %lt3A_340, %exp3A, %broadcast_in_dim3A_342 : vector<16xi1>, vector<16xf32>
        %swap3A_344 = arith.constant 1 : i32
        %swap3A_345 = arith.index_cast %swap3A_344 : i32 to index
        %swap3A_346 = arith.index_cast %mul3A_313 : i32 to index
        %swap3A_347 = tpu.vector_load %arg16[%swap3A_345, %swap3A_346] {strides = array<i32>} : memref<2x144xf32, #tpu.memory_space<vmem>>, vector<16xf32>,
        tpu.vector_store %arg16[%swap3A_345, %swap3A_346], %select_n3A_343 {strides = array<i32>} : memref<2x144xf32, #tpu.memory_space<vmem>>, vector<16xf32>,
        %add3A_348 = vector.broadcast %multiple_of3A : i32 to vector<16xi32>
        %add3A_349 = arith.addi %get3A_317, %add3A_348 : vector<16xi32>
        %swap3A_350 = arith.constant 1 : i32
        %swap3A_351 = arith.index_cast %swap3A_350 : i32 to index
        %swap3A_352 = arith.index_cast %mul3A_313 : i32 to index
        %swap3A_353 = tpu.vector_load %arg15[%swap3A_351, %swap3A_352] {strides = array<i32>} : memref<2x128xi32, #tpu.memory_space<vmem>>, vector<16xi32>,
        tpu.vector_store %arg15[%swap3A_351, %swap3A_352], %add3A_349 {strides = array<i32>} : memref<2x128xi32, #tpu.memory_space<vmem>>, vector<16xi32>,
        tpu.vector_store_idx %arg17[%get3A_320], %select_n3A_343 {add = true} : memref<10240xf32, #tpu.memory_space<vmem>>[vector<16xi32>], vector<16xf32>,
        %scan3A_354 = arith.constant 0 : i32
        scf.yield %scan3A_354 : i32
      }
      %scan3A_247 = arith.constant 8 : i32
      %gt3A_248 = arith.constant 0 : i32
      %gt3A_249 = arith.cmpi sgt, %scan3A_139, %gt3A_248 : i32
      %convert_element_type3A_250 = arith.extui %gt3A_249 : i1 to i32
      %cond3A_251 = arith.constant 0 : i32
      %cond3A_252 = arith.cmpi ne, %convert_element_type3A_250, %cond3A_251 : i32
      scf.if %cond3A_252 {
        %sub3A_310 = arith.constant 1 : i32
        %sub3A_311 = arith.subi %sub3A_310, %select_n3A_152 : i32
        %mul3A_312 = arith.constant 2 : i32
        %mul3A_313 = arith.muli %mul3A_312, %sub3A_311 : i32
        %add3A_314 = arith.constant 1 : i32
        %add3A_315 = arith.addi %mul3A_313, %add3A_314 : i32
        %dma_wait3A_316 = arith.constant 0 : i32
        %dma_wait3A_317 = tpu.memref_slice %arg14[%add3A_315, %dma_wait3A_316] : memref<4x128xi32, #tpu.memory_space<vmem>> -> memref<1x128xi32, #tpu.memory_space<vmem>>
        %dma_wait3A_318 = tpu.memref_squeeze %dma_wait3A_317 : memref<1x128xi32, #tpu.memory_space<vmem>> -> memref<128xi32, #tpu.memory_space<vmem>>
        %dma_wait3A_319 = arith.constant 0 : i32
        %dma_wait3A_320 = arith.constant 0 : i32
        %dma_wait3A_321 = tpu.memref_slice %arg21[%dma_wait3A_319, %dma_wait3A_320] : memref<10008x64xf32, #tpu.memory_space<vmem_shared>> -> memref<10008x64xf32, #tpu.memory_space<vmem_shared>>
        tpu.wait_indirect_dma semaphore(%arg32 : memref<!tpu.dma_semaphore, #tpu.memory_space<semaphore_mem>>) src(%arg20 : memref<128x64xf32, #tpu.memory_space<vmem>>) dst(%dma_wait3A_321 : memref<10008x64xf32, #tpu.memory_space<vmem_shared>>)
      } else {
      }
      %dma_start3A_253 = arith.constant 1 : i32
      %dma_start3A_254 = arith.constant 0 : i32
      %dma_start3A_255 = tpu.memref_slice %arg15[%dma_start3A_253, %dma_start3A_254] : memref<2x128xi32, #tpu.memory_space<vmem>> -> memref<1x128xi32, #tpu.memory_space<vmem>>
      %dma_start3A_256 = tpu.memref_squeeze %dma_start3A_255 : memref<1x128xi32, #tpu.memory_space<vmem>> -> memref<128xi32, #tpu.memory_space<vmem>>
      %dma_start3A_257 = arith.constant 0 : i32
      %dma_start3A_258 = arith.constant 0 : i32
      %dma_start3A_259 = tpu.memref_slice %arg6[%dma_start3A_257, %dma_start3A_258] : memref<20000x64xf32, #tpu.memory_space<hbm>> -> memref<20000x64xf32, #tpu.memory_space<hbm>>
      tpu.enqueue_indirect_dma source(%dma_start3A_259 : memref<20000x64xf32, #tpu.memory_space<hbm>>) target(%arg20 : memref<128x64xf32, #tpu.memory_space<vmem>>) offsets(%dma_start3A_256 : memref<128xi32, #tpu.memory_space<vmem>>) semaphore(%arg28 : memref<!tpu.dma_semaphore, #tpu.memory_space<semaphore_mem>>)
      %lt3A_260 = arith.constant 78 : i32
      %lt3A_261 = arith.cmpi slt, %scan3A_139, %lt3A_260 : i32
      %convert_element_type3A_262 = arith.extui %lt3A_261 : i1 to i32
      %cond3A_263 = arith.constant 0 : i32
      %cond3A_264 = arith.cmpi ne, %convert_element_type3A_262, %cond3A_263 : i32
      scf.if %cond3A_264 {
        %add3A_310 = arith.constant 1 : i32
        %add3A_311 = arith.addi %scan3A_139, %add3A_310 : i32
        %mul3A_312 = arith.constant 2 : i32
        %mul3A_313 = arith.muli %mul3A_312, %add3A_311 : i32
        %add3A_314 = arith.constant 0 : i32
        %add3A_315 = arith.addi %mul3A_313, %add3A_314 : i32
        %sub3A_316 = arith.constant 1 : i32
        %sub3A_317 = arith.subi %sub3A_316, %select_n3A_152 : i32
        %mul3A_318 = arith.constant 2 : i32
        %mul3A_319 = arith.muli %mul3A_318, %sub3A_317 : i32
        %add3A_320 = arith.constant 0 : i32
        %add3A_321 = arith.addi %mul3A_319, %add3A_320 : i32
        %dma_start3A_322 = arith.constant 0 : i32
        %dma_start3A_323 = arith.constant 0 : i32
        %dma_start3A_324 = tpu.memref_slice %arg13[%dma_start3A_322, %dma_start3A_323] : memref<2x128xi32, #tpu.memory_space<vmem>> -> memref<1x128xi32, #tpu.memory_space<vmem>>
        %dma_start3A_325 = tpu.memref_squeeze %dma_start3A_324 : memref<1x128xi32, #tpu.memory_space<vmem>> -> memref<128xi32, #tpu.memory_space<vmem>>
        %dma_start3A_326 = arith.constant 0 : i32
        %dma_start3A_327 = tpu.memref_slice %arg2[%arg0, %arg1, %add3A_315, %dma_start3A_326] : memref<2x16x158x128xi32, #tpu.memory_space<hbm>> -> memref<1x1x1x128xi32, #tpu.memory_space<hbm>>
        %dma_start3A_328 = tpu.memref_squeeze %dma_start3A_327 : memref<1x1x1x128xi32, #tpu.memory_space<hbm>> -> memref<128xi32, #tpu.memory_space<hbm>>
        %dma_start3A_329 = arith.constant 0 : i32
        %dma_start3A_330 = tpu.memref_slice %arg13[%dma_start3A_322, %dma_start3A_329] : memref<2x128xi32, #tpu.memory_space<vmem>> -> memref<1x128xi32, #tpu.memory_space<vmem>>
        %dma_start3A_331 = tpu.memref_squeeze %dma_start3A_330 : memref<1x128xi32, #tpu.memory_space<vmem>> -> memref<128xi32, #tpu.memory_space<vmem>>
        %dma_start3A_332 = arith.constant 0 : i32
        %dma_start3A_333 = tpu.memref_slice %arg2[%arg0, %arg1, %add3A_315, %dma_start3A_332] : memref<2x16x158x128xi32, #tpu.memory_space<hbm>> -> memref<1x1x1x128xi32, #tpu.memory_space<hbm>>
        %dma_start3A_334 = tpu.memref_squeeze %dma_start3A_333 : memref<1x1x1x128xi32, #tpu.memory_space<hbm>> -> memref<128xi32, #tpu.memory_space<hbm>>
        tpu.enqueue_dma source(%dma_start3A_334 : memref<128xi32, #tpu.memory_space<hbm>>) target(%dma_start3A_331 : memref<128xi32, #tpu.memory_space<vmem>>) target_semaphore(%arg23 : memref<!tpu.dma_semaphore, #tpu.memory_space<semaphore_mem>>)
        %sub3A_335 = arith.constant 1 : i32
        %sub3A_336 = arith.subi %sub3A_335, %arg0 : i32
        %dma_start3A_337 = arith.constant 0 : i32
        %dma_start3A_338 = tpu.memref_slice %arg14[%add3A_321, %dma_start3A_337] : memref<4x128xi32, #tpu.memory_space<vmem>> -> memref<1x128xi32, #tpu.memory_space<vmem>>
        %dma_start3A_339 = tpu.memref_squeeze %dma_start3A_338 : memref<1x128xi32, #tpu.memory_space<vmem>> -> memref<128xi32, #tpu.memory_space<vmem>>
        %dma_start3A_340 = arith.constant 0 : i32
        %dma_start3A_341 = tpu.memref_slice %arg2[%sub3A_336, %arg1, %add3A_315, %dma_start3A_340] : memref<2x16x158x128xi32, #tpu.memory_space<hbm>> -> memref<1x1x1x128xi32, #tpu.memory_space<hbm>>
        %dma_start3A_342 = tpu.memref_squeeze %dma_start3A_341 : memref<1x1x1x128xi32, #tpu.memory_space<hbm>> -> memref<128xi32, #tpu.memory_space<hbm>>
        %dma_start3A_343 = arith.constant 0 : i32
        %dma_start3A_344 = tpu.memref_slice %arg14[%add3A_321, %dma_start3A_343] : memref<4x128xi32, #tpu.memory_space<vmem>> -> memref<1x128xi32, #tpu.memory_space<vmem>>
        %dma_start3A_345 = tpu.memref_squeeze %dma_start3A_344 : memref<1x128xi32, #tpu.memory_space<vmem>> -> memref<128xi32, #tpu.memory_space<vmem>>
        %dma_start3A_346 = arith.constant 0 : i32
        %dma_start3A_347 = tpu.memref_slice %arg2[%sub3A_336, %arg1, %add3A_315, %dma_start3A_346] : memref<2x16x158x128xi32, #tpu.memory_space<hbm>> -> memref<1x1x1x128xi32, #tpu.memory_space<hbm>>
        %dma_start3A_348 = tpu.memref_squeeze %dma_start3A_347 : memref<1x1x1x128xi32, #tpu.memory_space<hbm>> -> memref<128xi32, #tpu.memory_space<hbm>>
        tpu.enqueue_dma source(%dma_start3A_348 : memref<128xi32, #tpu.memory_space<hbm>>) target(%dma_start3A_345 : memref<128xi32, #tpu.memory_space<vmem>>) target_semaphore(%arg23 : memref<!tpu.dma_semaphore, #tpu.memory_space<semaphore_mem>>)
        %add3A_349 = arith.constant 1 : i32
        %add3A_350 = arith.addi %scan3A_139, %add3A_349 : i32
        %mul3A_351 = arith.constant 2 : i32
        %mul3A_352 = arith.muli %mul3A_351, %add3A_350 : i32
        %add3A_353 = arith.constant 1 : i32
        %add3A_354 = arith.addi %mul3A_352, %add3A_353 : i32
        %sub3A_355 = arith.constant 1 : i32
        %sub3A_356 = arith.subi %sub3A_355, %select_n3A_152 : i32
        %mul3A_357 = arith.constant 2 : i32
        %mul3A_358 = arith.muli %mul3A_357, %sub3A_356 : i32
        %add3A_359 = arith.constant 1 : i32
        %add3A_360 = arith.addi %mul3A_358, %add3A_359 : i32
        %dma_start3A_361 = arith.constant 1 : i32
        %dma_start3A_362 = arith.constant 0 : i32
        %dma_start3A_363 = tpu.memref_slice %arg13[%dma_start3A_361, %dma_start3A_362] : memref<2x128xi32, #tpu.memory_space<vmem>> -> memref<1x128xi32, #tpu.memory_space<vmem>>
        %dma_start3A_364 = tpu.memref_squeeze %dma_start3A_363 : memref<1x128xi32, #tpu.memory_space<vmem>> -> memref<128xi32, #tpu.memory_space<vmem>>
        %dma_start3A_365 = arith.constant 0 : i32
        %dma_start3A_366 = tpu.memref_slice %arg2[%arg0, %arg1, %add3A_354, %dma_start3A_365] : memref<2x16x158x128xi32, #tpu.memory_space<hbm>> -> memref<1x1x1x128xi32, #tpu.memory_space<hbm>>
        %dma_start3A_367 = tpu.memref_squeeze %dma_start3A_366 : memref<1x1x1x128xi32, #tpu.memory_space<hbm>> -> memref<128xi32, #tpu.memory_space<hbm>>
        %dma_start3A_368 = arith.constant 0 : i32
        %dma_start3A_369 = tpu.memref_slice %arg13[%dma_start3A_361, %dma_start3A_368] : memref<2x128xi32, #tpu.memory_space<vmem>> -> memref<1x128xi32, #tpu.memory_space<vmem>>
        %dma_start3A_370 = tpu.memref_squeeze %dma_start3A_369 : memref<1x128xi32, #tpu.memory_space<vmem>> -> memref<128xi32, #tpu.memory_space<vmem>>
        %dma_start3A_371 = arith.constant 0 : i32
        %dma_start3A_372 = tpu.memref_slice %arg2[%arg0, %arg1, %add3A_354, %dma_start3A_371] : memref<2x16x158x128xi32, #tpu.memory_space<hbm>> -> memref<1x1x1x128xi32, #tpu.memory_space<hbm>>
        %dma_start3A_373 = tpu.memref_squeeze %dma_start3A_372 : memref<1x1x1x128xi32, #tpu.memory_space<hbm>> -> memref<128xi32, #tpu.memory_space<hbm>>
        tpu.enqueue_dma source(%dma_start3A_373 : memref<128xi32, #tpu.memory_space<hbm>>) target(%dma_start3A_370 : memref<128xi32, #tpu.memory_space<vmem>>) target_semaphore(%arg24 : memref<!tpu.dma_semaphore, #tpu.memory_space<semaphore_mem>>)
        %sub3A_374 = arith.constant 1 : i32
        %sub3A_375 = arith.subi %sub3A_374, %arg0 : i32
        %dma_start3A_376 = arith.constant 0 : i32
        %dma_start3A_377 = tpu.memref_slice %arg14[%add3A_360, %dma_start3A_376] : memref<4x128xi32, #tpu.memory_space<vmem>> -> memref<1x128xi32, #tpu.memory_space<vmem>>
        %dma_start3A_378 = tpu.memref_squeeze %dma_start3A_377 : memref<1x128xi32, #tpu.memory_space<vmem>> -> memref<128xi32, #tpu.memory_space<vmem>>
        %dma_start3A_379 = arith.constant 0 : i32
        %dma_start3A_380 = tpu.memref_slice %arg2[%sub3A_375, %arg1, %add3A_354, %dma_start3A_379] : memref<2x16x158x128xi32, #tpu.memory_space<hbm>> -> memref<1x1x1x128xi32, #tpu.memory_space<hbm>>
        %dma_start3A_381 = tpu.memref_squeeze %dma_start3A_380 : memref<1x1x1x128xi32, #tpu.memory_space<hbm>> -> memref<128xi32, #tpu.memory_space<hbm>>
        %dma_start3A_382 = arith.constant 0 : i32
        %dma_start3A_383 = tpu.memref_slice %arg14[%add3A_360, %dma_start3A_382] : memref<4x128xi32, #tpu.memory_space<vmem>> -> memref<1x128xi32, #tpu.memory_space<vmem>>
        %dma_start3A_384 = tpu.memref_squeeze %dma_start3A_383 : memref<1x128xi32, #tpu.memory_space<vmem>> -> memref<128xi32, #tpu.memory_space<vmem>>
        %dma_start3A_385 = arith.constant 0 : i32
        %dma_start3A_386 = tpu.memref_slice %arg2[%sub3A_375, %arg1, %add3A_354, %dma_start3A_385] : memref<2x16x158x128xi32, #tpu.memory_space<hbm>> -> memref<1x1x1x128xi32, #tpu.memory_space<hbm>>
        %dma_start3A_387 = tpu.memref_squeeze %dma_start3A_386 : memref<1x1x1x128xi32, #tpu.memory_space<hbm>> -> memref<128xi32, #tpu.memory_space<hbm>>
        tpu.enqueue_dma source(%dma_start3A_387 : memref<128xi32, #tpu.memory_space<hbm>>) target(%dma_start3A_384 : memref<128xi32, #tpu.memory_space<vmem>>) target_semaphore(%arg24 : memref<!tpu.dma_semaphore, #tpu.memory_space<semaphore_mem>>)
      } else {
      }
      %dma_wait3A_265 = arith.constant 0 : i32
      %dma_wait3A_266 = arith.constant 0 : i32
      %dma_wait3A_267 = tpu.memref_slice %arg15[%dma_wait3A_265, %dma_wait3A_266] : memref<2x128xi32, #tpu.memory_space<vmem>> -> memref<1x128xi32, #tpu.memory_space<vmem>>
      %dma_wait3A_268 = tpu.memref_squeeze %dma_wait3A_267 : memref<1x128xi32, #tpu.memory_space<vmem>> -> memref<128xi32, #tpu.memory_space<vmem>>
      %dma_wait3A_269 = arith.constant 0 : i32
      %dma_wait3A_270 = arith.constant 0 : i32
      %dma_wait3A_271 = tpu.memref_slice %arg6[%dma_wait3A_269, %dma_wait3A_270] : memref<20000x64xf32, #tpu.memory_space<hbm>> -> memref<20000x64xf32, #tpu.memory_space<hbm>>
      tpu.wait_indirect_dma semaphore(%arg27 : memref<!tpu.dma_semaphore, #tpu.memory_space<semaphore_mem>>) src(%dma_wait3A_271 : memref<20000x64xf32, #tpu.memory_space<hbm>>) dst(%arg19 : memref<128x64xf32, #tpu.memory_space<vmem>>)
      %scan3A_272 = arith.constant 0 : i32
      %scan3A_273 = arith.constant 0 : i32
      %scan3A_274 = arith.constant 64 : i32
      %scan3A_275 = arith.addi %scan3A_273, %scan3A_274 : i32
      %scan3A_276 = arith.constant 1 : i32
      %scan3A_277 = scf.for %scan3A_310 = %scan3A_273 to %scan3A_275 step %scan3A_276 iter_args(%scan3A_311 = %scan3A_272) -> (i32)  : i32 {
        %mul3A_312 = arith.constant 2 : i32
        %mul3A_313 = arith.muli %scan3A_310, %mul3A_312 : i32
        %get3A_314 = arith.constant 0 : i32
        %get3A_315 = arith.index_cast %get3A_314 : i32 to index
        %get3A_316 = arith.index_cast %mul3A_313 : i32 to index
        %get3A_317 = tpu.vector_load %arg16[%get3A_315, %get3A_316] {strides = array<i32>} : memref<2x144xf32, #tpu.memory_space<vmem>>, vector<16xf32>,
        %slice3A = vector.extract_strided_slice %get3A_317 {offsets = [0], sizes = [1], strides = [1]} : vector<16xf32> to vector<1xf32>
        %squeeze3A = vector.extract %slice3A[0] : f32 from vector<1xf32>
        %add3A_318 = arith.constant 0 : i32
        %add3A_319 = arith.addi %mul3A_313, %add3A_318 : i32
        %get3A_320 = arith.index_cast %add3A_319 : i32 to index
        %get3A_321 = arith.constant 0 : index
        %get3A_322 = tpu.vector_load %arg19[%get3A_320, %get3A_321] {strides = array<i32>} : memref<128x64xf32, #tpu.memory_space<vmem>>, vector<16xf32>,
        %mul3A_323 = vector.broadcast %squeeze3A : f32 to vector<16xf32>
        %mul3A_324 = arith.mulf %get3A_322, %mul3A_323 : vector<16xf32>
        %swap3A_325 = arith.index_cast %add3A_319 : i32 to index
        %swap3A_326 = arith.constant 0 : index
        %swap3A_327 = tpu.vector_load %arg19[%swap3A_325, %swap3A_326] {strides = array<i32>} : memref<128x64xf32, #tpu.memory_space<vmem>>, vector<16xf32>,
        tpu.vector_store %arg19[%swap3A_325, %swap3A_326], %mul3A_324 {strides = array<i32>} : memref<128x64xf32, #tpu.memory_space<vmem>>, vector<16xf32>,
        %get3A_328 = arith.index_cast %add3A_319 : i32 to index
        %get3A_329 = arith.constant 16 : index
        %get3A_330 = tpu.vector_load %arg19[%get3A_328, %get3A_329] {strides = array<i32>} : memref<128x64xf32, #tpu.memory_space<vmem>>, vector<16xf32>,
        %mul3A_331 = vector.broadcast %squeeze3A : f32 to vector<16xf32>
        %mul3A_332 = arith.mulf %get3A_330, %mul3A_331 : vector<16xf32>
        %swap3A_333 = arith.index_cast %add3A_319 : i32 to index
        %swap3A_334 = arith.constant 16 : index
        %swap3A_335 = tpu.vector_load %arg19[%swap3A_333, %swap3A_334] {strides = array<i32>} : memref<128x64xf32, #tpu.memory_space<vmem>>, vector<16xf32>,
        tpu.vector_store %arg19[%swap3A_333, %swap3A_334], %mul3A_332 {strides = array<i32>} : memref<128x64xf32, #tpu.memory_space<vmem>>, vector<16xf32>,
        %get3A_336 = arith.index_cast %add3A_319 : i32 to index
        %get3A_337 = arith.constant 32 : index
        %get3A_338 = tpu.vector_load %arg19[%get3A_336, %get3A_337] {strides = array<i32>} : memref<128x64xf32, #tpu.memory_space<vmem>>, vector<16xf32>,
        %mul3A_339 = vector.broadcast %squeeze3A : f32 to vector<16xf32>
        %mul3A_340 = arith.mulf %get3A_338, %mul3A_339 : vector<16xf32>
        %swap3A_341 = arith.index_cast %add3A_319 : i32 to index
        %swap3A_342 = arith.constant 32 : index
        %swap3A_343 = tpu.vector_load %arg19[%swap3A_341, %swap3A_342] {strides = array<i32>} : memref<128x64xf32, #tpu.memory_space<vmem>>, vector<16xf32>,
        tpu.vector_store %arg19[%swap3A_341, %swap3A_342], %mul3A_340 {strides = array<i32>} : memref<128x64xf32, #tpu.memory_space<vmem>>, vector<16xf32>,
        %get3A_344 = arith.index_cast %add3A_319 : i32 to index
        %get3A_345 = arith.constant 48 : index
        %get3A_346 = tpu.vector_load %arg19[%get3A_344, %get3A_345] {strides = array<i32>} : memref<128x64xf32, #tpu.memory_space<vmem>>, vector<16xf32>,
        %mul3A_347 = vector.broadcast %squeeze3A : f32 to vector<16xf32>
        %mul3A_348 = arith.mulf %get3A_346, %mul3A_347 : vector<16xf32>
        %swap3A_349 = arith.index_cast %add3A_319 : i32 to index
        %swap3A_350 = arith.constant 48 : index
        %swap3A_351 = tpu.vector_load %arg19[%swap3A_349, %swap3A_350] {strides = array<i32>} : memref<128x64xf32, #tpu.memory_space<vmem>>, vector<16xf32>,
        tpu.vector_store %arg19[%swap3A_349, %swap3A_350], %mul3A_348 {strides = array<i32>} : memref<128x64xf32, #tpu.memory_space<vmem>>, vector<16xf32>,
        %slice3A_352 = vector.extract_strided_slice %get3A_317 {offsets = [1], sizes = [1], strides = [1]} : vector<16xf32> to vector<1xf32>
        %squeeze3A_353 = vector.extract %slice3A_352[0] : f32 from vector<1xf32>
        %add3A_354 = arith.constant 1 : i32
        %add3A_355 = arith.addi %mul3A_313, %add3A_354 : i32
        %get3A_356 = arith.index_cast %add3A_355 : i32 to index
        %get3A_357 = arith.constant 0 : index
        %get3A_358 = tpu.vector_load %arg19[%get3A_356, %get3A_357] {strides = array<i32>} : memref<128x64xf32, #tpu.memory_space<vmem>>, vector<16xf32>,
        %mul3A_359 = vector.broadcast %squeeze3A_353 : f32 to vector<16xf32>
        %mul3A_360 = arith.mulf %get3A_358, %mul3A_359 : vector<16xf32>
        %swap3A_361 = arith.index_cast %add3A_355 : i32 to index
        %swap3A_362 = arith.constant 0 : index
        %swap3A_363 = tpu.vector_load %arg19[%swap3A_361, %swap3A_362] {strides = array<i32>} : memref<128x64xf32, #tpu.memory_space<vmem>>, vector<16xf32>,
        tpu.vector_store %arg19[%swap3A_361, %swap3A_362], %mul3A_360 {strides = array<i32>} : memref<128x64xf32, #tpu.memory_space<vmem>>, vector<16xf32>,
        %get3A_364 = arith.index_cast %add3A_355 : i32 to index
        %get3A_365 = arith.constant 16 : index
        %get3A_366 = tpu.vector_load %arg19[%get3A_364, %get3A_365] {strides = array<i32>} : memref<128x64xf32, #tpu.memory_space<vmem>>, vector<16xf32>,
        %mul3A_367 = vector.broadcast %squeeze3A_353 : f32 to vector<16xf32>
        %mul3A_368 = arith.mulf %get3A_366, %mul3A_367 : vector<16xf32>
        %swap3A_369 = arith.index_cast %add3A_355 : i32 to index
        %swap3A_370 = arith.constant 16 : index
        %swap3A_371 = tpu.vector_load %arg19[%swap3A_369, %swap3A_370] {strides = array<i32>} : memref<128x64xf32, #tpu.memory_space<vmem>>, vector<16xf32>,
        tpu.vector_store %arg19[%swap3A_369, %swap3A_370], %mul3A_368 {strides = array<i32>} : memref<128x64xf32, #tpu.memory_space<vmem>>, vector<16xf32>,
        %get3A_372 = arith.index_cast %add3A_355 : i32 to index
        %get3A_373 = arith.constant 32 : index
        %get3A_374 = tpu.vector_load %arg19[%get3A_372, %get3A_373] {strides = array<i32>} : memref<128x64xf32, #tpu.memory_space<vmem>>, vector<16xf32>,
        %mul3A_375 = vector.broadcast %squeeze3A_353 : f32 to vector<16xf32>
        %mul3A_376 = arith.mulf %get3A_374, %mul3A_375 : vector<16xf32>
        %swap3A_377 = arith.index_cast %add3A_355 : i32 to index
        %swap3A_378 = arith.constant 32 : index
        %swap3A_379 = tpu.vector_load %arg19[%swap3A_377, %swap3A_378] {strides = array<i32>} : memref<128x64xf32, #tpu.memory_space<vmem>>, vector<16xf32>,
        tpu.vector_store %arg19[%swap3A_377, %swap3A_378], %mul3A_376 {strides = array<i32>} : memref<128x64xf32, #tpu.memory_space<vmem>>, vector<16xf32>,
        %get3A_380 = arith.index_cast %add3A_355 : i32 to index
        %get3A_381 = arith.constant 48 : index
        %get3A_382 = tpu.vector_load %arg19[%get3A_380, %get3A_381] {strides = array<i32>} : memref<128x64xf32, #tpu.memory_space<vmem>>, vector<16xf32>,
        %mul3A_383 = vector.broadcast %squeeze3A_353 : f32 to vector<16xf32>
        %mul3A_384 = arith.mulf %get3A_382, %mul3A_383 : vector<16xf32>
        %swap3A_385 = arith.index_cast %add3A_355 : i32 to index
        %swap3A_386 = arith.constant 48 : index
        %swap3A_387 = tpu.vector_load %arg19[%swap3A_385, %swap3A_386] {strides = array<i32>} : memref<128x64xf32, #tpu.memory_space<vmem>>, vector<16xf32>,
        tpu.vector_store %arg19[%swap3A_385, %swap3A_386], %mul3A_384 {strides = array<i32>} : memref<128x64xf32, #tpu.memory_space<vmem>>, vector<16xf32>,
        %scan3A_388 = arith.constant 0 : i32
        scf.yield %scan3A_388 : i32
      }
      %scan3A_278 = arith.constant 64 : i32
      %add3A_279 = arith.constant 0 : i32
      %add3A_280 = arith.addi %mul3A_154, %add3A_279 : i32
      %dma_start3A_281 = arith.constant 0 : i32
      %dma_start3A_282 = tpu.memref_slice %arg14[%add3A_280, %dma_start3A_281] : memref<4x128xi32, #tpu.memory_space<vmem>> -> memref<1x128xi32, #tpu.memory_space<vmem>>
      %dma_start3A_283 = tpu.memref_squeeze %dma_start3A_282 : memref<1x128xi32, #tpu.memory_space<vmem>> -> memref<128xi32, #tpu.memory_space<vmem>>
      %dma_start3A_284 = arith.constant 0 : i32
      %dma_start3A_285 = arith.constant 0 : i32
      %dma_start3A_286 = tpu.memref_slice %arg21[%dma_start3A_284, %dma_start3A_285] : memref<10008x64xf32, #tpu.memory_space<vmem_shared>> -> memref<10008x64xf32, #tpu.memory_space<vmem_shared>>
      tpu.enqueue_indirect_dma source(%arg19 : memref<128x64xf32, #tpu.memory_space<vmem>>) target(%dma_start3A_286 : memref<10008x64xf32, #tpu.memory_space<vmem_shared>>) offsets(%dma_start3A_283 : memref<128xi32, #tpu.memory_space<vmem>>) semaphore(%arg31 : memref<!tpu.dma_semaphore, #tpu.memory_space<semaphore_mem>>) {add = true}
      %dma_wait3A_287 = arith.constant 1 : i32
      %dma_wait3A_288 = arith.constant 0 : i32
      %dma_wait3A_289 = tpu.memref_slice %arg15[%dma_wait3A_287, %dma_wait3A_288] : memref<2x128xi32, #tpu.memory_space<vmem>> -> memref<1x128xi32, #tpu.memory_space<vmem>>
      %dma_wait3A_290 = tpu.memref_squeeze %dma_wait3A_289 : memref<1x128xi32, #tpu.memory_space<vmem>> -> memref<128xi32, #tpu.memory_space<vmem>>
      %dma_wait3A_291 = arith.constant 0 : i32
      %dma_wait3A_292 = arith.constant 0 : i32
      %dma_wait3A_293 = tpu.memref_slice %arg6[%dma_wait3A_291, %dma_wait3A_292] : memref<20000x64xf32, #tpu.memory_space<hbm>> -> memref<20000x64xf32, #tpu.memory_space<hbm>>
      tpu.wait_indirect_dma semaphore(%arg28 : memref<!tpu.dma_semaphore, #tpu.memory_space<semaphore_mem>>) src(%dma_wait3A_293 : memref<20000x64xf32, #tpu.memory_space<hbm>>) dst(%arg20 : memref<128x64xf32, #tpu.memory_space<vmem>>)
      %scan3A_294 = arith.constant 0 : i32
      %scan3A_295 = arith.constant 0 : i32
      %scan3A_296 = arith.constant 64 : i32
      %scan3A_297 = arith.addi %scan3A_295, %scan3A_296 : i32
      %scan3A_298 = arith.constant 1 : i32
      %scan3A_299 = scf.for %scan3A_310 = %scan3A_295 to %scan3A_297 step %scan3A_298 iter_args(%scan3A_311 = %scan3A_294) -> (i32)  : i32 {
        %mul3A_312 = arith.constant 2 : i32
        %mul3A_313 = arith.muli %scan3A_310, %mul3A_312 : i32
        %get3A_314 = arith.constant 1 : i32
        %get3A_315 = arith.index_cast %get3A_314 : i32 to index
        %get3A_316 = arith.index_cast %mul3A_313 : i32 to index
        %get3A_317 = tpu.vector_load %arg16[%get3A_315, %get3A_316] {strides = array<i32>} : memref<2x144xf32, #tpu.memory_space<vmem>>, vector<16xf32>,
        %slice3A = vector.extract_strided_slice %get3A_317 {offsets = [0], sizes = [1], strides = [1]} : vector<16xf32> to vector<1xf32>
        %squeeze3A = vector.extract %slice3A[0] : f32 from vector<1xf32>
        %add3A_318 = arith.constant 0 : i32
        %add3A_319 = arith.addi %mul3A_313, %add3A_318 : i32
        %get3A_320 = arith.index_cast %add3A_319 : i32 to index
        %get3A_321 = arith.constant 0 : index
        %get3A_322 = tpu.vector_load %arg20[%get3A_320, %get3A_321] {strides = array<i32>} : memref<128x64xf32, #tpu.memory_space<vmem>>, vector<16xf32>,
        %mul3A_323 = vector.broadcast %squeeze3A : f32 to vector<16xf32>
        %mul3A_324 = arith.mulf %get3A_322, %mul3A_323 : vector<16xf32>
        %swap3A_325 = arith.index_cast %add3A_319 : i32 to index
        %swap3A_326 = arith.constant 0 : index
        %swap3A_327 = tpu.vector_load %arg20[%swap3A_325, %swap3A_326] {strides = array<i32>} : memref<128x64xf32, #tpu.memory_space<vmem>>, vector<16xf32>,
        tpu.vector_store %arg20[%swap3A_325, %swap3A_326], %mul3A_324 {strides = array<i32>} : memref<128x64xf32, #tpu.memory_space<vmem>>, vector<16xf32>,
        %get3A_328 = arith.index_cast %add3A_319 : i32 to index
        %get3A_329 = arith.constant 16 : index
        %get3A_330 = tpu.vector_load %arg20[%get3A_328, %get3A_329] {strides = array<i32>} : memref<128x64xf32, #tpu.memory_space<vmem>>, vector<16xf32>,
        %mul3A_331 = vector.broadcast %squeeze3A : f32 to vector<16xf32>
        %mul3A_332 = arith.mulf %get3A_330, %mul3A_331 : vector<16xf32>
        %swap3A_333 = arith.index_cast %add3A_319 : i32 to index
        %swap3A_334 = arith.constant 16 : index
        %swap3A_335 = tpu.vector_load %arg20[%swap3A_333, %swap3A_334] {strides = array<i32>} : memref<128x64xf32, #tpu.memory_space<vmem>>, vector<16xf32>,
        tpu.vector_store %arg20[%swap3A_333, %swap3A_334], %mul3A_332 {strides = array<i32>} : memref<128x64xf32, #tpu.memory_space<vmem>>, vector<16xf32>,
        %get3A_336 = arith.index_cast %add3A_319 : i32 to index
        %get3A_337 = arith.constant 32 : index
        %get3A_338 = tpu.vector_load %arg20[%get3A_336, %get3A_337] {strides = array<i32>} : memref<128x64xf32, #tpu.memory_space<vmem>>, vector<16xf32>,
        %mul3A_339 = vector.broadcast %squeeze3A : f32 to vector<16xf32>
        %mul3A_340 = arith.mulf %get3A_338, %mul3A_339 : vector<16xf32>
        %swap3A_341 = arith.index_cast %add3A_319 : i32 to index
        %swap3A_342 = arith.constant 32 : index
        %swap3A_343 = tpu.vector_load %arg20[%swap3A_341, %swap3A_342] {strides = array<i32>} : memref<128x64xf32, #tpu.memory_space<vmem>>, vector<16xf32>,
        tpu.vector_store %arg20[%swap3A_341, %swap3A_342], %mul3A_340 {strides = array<i32>} : memref<128x64xf32, #tpu.memory_space<vmem>>, vector<16xf32>,
        %get3A_344 = arith.index_cast %add3A_319 : i32 to index
        %get3A_345 = arith.constant 48 : index
        %get3A_346 = tpu.vector_load %arg20[%get3A_344, %get3A_345] {strides = array<i32>} : memref<128x64xf32, #tpu.memory_space<vmem>>, vector<16xf32>,
        %mul3A_347 = vector.broadcast %squeeze3A : f32 to vector<16xf32>
        %mul3A_348 = arith.mulf %get3A_346, %mul3A_347 : vector<16xf32>
        %swap3A_349 = arith.index_cast %add3A_319 : i32 to index
        %swap3A_350 = arith.constant 48 : index
        %swap3A_351 = tpu.vector_load %arg20[%swap3A_349, %swap3A_350] {strides = array<i32>} : memref<128x64xf32, #tpu.memory_space<vmem>>, vector<16xf32>,
        tpu.vector_store %arg20[%swap3A_349, %swap3A_350], %mul3A_348 {strides = array<i32>} : memref<128x64xf32, #tpu.memory_space<vmem>>, vector<16xf32>,
        %slice3A_352 = vector.extract_strided_slice %get3A_317 {offsets = [1], sizes = [1], strides = [1]} : vector<16xf32> to vector<1xf32>
        %squeeze3A_353 = vector.extract %slice3A_352[0] : f32 from vector<1xf32>
        %add3A_354 = arith.constant 1 : i32
        %add3A_355 = arith.addi %mul3A_313, %add3A_354 : i32
        %get3A_356 = arith.index_cast %add3A_355 : i32 to index
        %get3A_357 = arith.constant 0 : index
        %get3A_358 = tpu.vector_load %arg20[%get3A_356, %get3A_357] {strides = array<i32>} : memref<128x64xf32, #tpu.memory_space<vmem>>, vector<16xf32>,
        %mul3A_359 = vector.broadcast %squeeze3A_353 : f32 to vector<16xf32>
        %mul3A_360 = arith.mulf %get3A_358, %mul3A_359 : vector<16xf32>
        %swap3A_361 = arith.index_cast %add3A_355 : i32 to index
        %swap3A_362 = arith.constant 0 : index
        %swap3A_363 = tpu.vector_load %arg20[%swap3A_361, %swap3A_362] {strides = array<i32>} : memref<128x64xf32, #tpu.memory_space<vmem>>, vector<16xf32>,
        tpu.vector_store %arg20[%swap3A_361, %swap3A_362], %mul3A_360 {strides = array<i32>} : memref<128x64xf32, #tpu.memory_space<vmem>>, vector<16xf32>,
        %get3A_364 = arith.index_cast %add3A_355 : i32 to index
        %get3A_365 = arith.constant 16 : index
        %get3A_366 = tpu.vector_load %arg20[%get3A_364, %get3A_365] {strides = array<i32>} : memref<128x64xf32, #tpu.memory_space<vmem>>, vector<16xf32>,
        %mul3A_367 = vector.broadcast %squeeze3A_353 : f32 to vector<16xf32>
        %mul3A_368 = arith.mulf %get3A_366, %mul3A_367 : vector<16xf32>
        %swap3A_369 = arith.index_cast %add3A_355 : i32 to index
        %swap3A_370 = arith.constant 16 : index
        %swap3A_371 = tpu.vector_load %arg20[%swap3A_369, %swap3A_370] {strides = array<i32>} : memref<128x64xf32, #tpu.memory_space<vmem>>, vector<16xf32>,
        tpu.vector_store %arg20[%swap3A_369, %swap3A_370], %mul3A_368 {strides = array<i32>} : memref<128x64xf32, #tpu.memory_space<vmem>>, vector<16xf32>,
        %get3A_372 = arith.index_cast %add3A_355 : i32 to index
        %get3A_373 = arith.constant 32 : index
        %get3A_374 = tpu.vector_load %arg20[%get3A_372, %get3A_373] {strides = array<i32>} : memref<128x64xf32, #tpu.memory_space<vmem>>, vector<16xf32>,
        %mul3A_375 = vector.broadcast %squeeze3A_353 : f32 to vector<16xf32>
        %mul3A_376 = arith.mulf %get3A_374, %mul3A_375 : vector<16xf32>
        %swap3A_377 = arith.index_cast %add3A_355 : i32 to index
        %swap3A_378 = arith.constant 32 : index
        %swap3A_379 = tpu.vector_load %arg20[%swap3A_377, %swap3A_378] {strides = array<i32>} : memref<128x64xf32, #tpu.memory_space<vmem>>, vector<16xf32>,
        tpu.vector_store %arg20[%swap3A_377, %swap3A_378], %mul3A_376 {strides = array<i32>} : memref<128x64xf32, #tpu.memory_space<vmem>>, vector<16xf32>,
        %get3A_380 = arith.index_cast %add3A_355 : i32 to index
        %get3A_381 = arith.constant 48 : index
        %get3A_382 = tpu.vector_load %arg20[%get3A_380, %get3A_381] {strides = array<i32>} : memref<128x64xf32, #tpu.memory_space<vmem>>, vector<16xf32>,
        %mul3A_383 = vector.broadcast %squeeze3A_353 : f32 to vector<16xf32>
        %mul3A_384 = arith.mulf %get3A_382, %mul3A_383 : vector<16xf32>
        %swap3A_385 = arith.index_cast %add3A_355 : i32 to index
        %swap3A_386 = arith.constant 48 : index
        %swap3A_387 = tpu.vector_load %arg20[%swap3A_385, %swap3A_386] {strides = array<i32>} : memref<128x64xf32, #tpu.memory_space<vmem>>, vector<16xf32>,
        tpu.vector_store %arg20[%swap3A_385, %swap3A_386], %mul3A_384 {strides = array<i32>} : memref<128x64xf32, #tpu.memory_space<vmem>>, vector<16xf32>,
        %scan3A_388 = arith.constant 0 : i32
        scf.yield %scan3A_388 : i32
      }
      %scan3A_300 = arith.constant 64 : i32
      %add3A_301 = arith.constant 1 : i32
      %add3A_302 = arith.addi %mul3A_154, %add3A_301 : i32
      %dma_start3A_303 = arith.constant 0 : i32
      %dma_start3A_304 = tpu.memref_slice %arg14[%add3A_302, %dma_start3A_303] : memref<4x128xi32, #tpu.memory_space<vmem>> -> memref<1x128xi32, #tpu.memory_space<vmem>>
      %dma_start3A_305 = tpu.memref_squeeze %dma_start3A_304 : memref<1x128xi32, #tpu.memory_space<vmem>> -> memref<128xi32, #tpu.memory_space<vmem>>
      %dma_start3A_306 = arith.constant 0 : i32
      %dma_start3A_307 = arith.constant 0 : i32
      %dma_start3A_308 = tpu.memref_slice %arg21[%dma_start3A_306, %dma_start3A_307] : memref<10008x64xf32, #tpu.memory_space<vmem_shared>> -> memref<10008x64xf32, #tpu.memory_space<vmem_shared>>
      tpu.enqueue_indirect_dma source(%arg20 : memref<128x64xf32, #tpu.memory_space<vmem>>) target(%dma_start3A_308 : memref<10008x64xf32, #tpu.memory_space<vmem_shared>>) offsets(%dma_start3A_305 : memref<128xi32, #tpu.memory_space<vmem>>) semaphore(%arg32 : memref<!tpu.dma_semaphore, #tpu.memory_space<semaphore_mem>>) {add = true}
      %scan3A_309 = arith.constant 0 : i32
      scf.yield %scan3A_309 : i32
    }
    %scan3A_98 = arith.constant 79 : i32
    %dma_wait3A = arith.constant 0 : i32
    %dma_wait3A_99 = arith.constant 0 : i32
    %dma_wait3A_100 = tpu.memref_slice %arg14[%dma_wait3A, %dma_wait3A_99] : memref<4x128xi32, #tpu.memory_space<vmem>> -> memref<1x128xi32, #tpu.memory_space<vmem>>
    %dma_wait3A_101 = tpu.memref_squeeze %dma_wait3A_100 : memref<1x128xi32, #tpu.memory_space<vmem>> -> memref<128xi32, #tpu.memory_space<vmem>>
    %dma_wait3A_102 = arith.constant 0 : i32
    %dma_wait3A_103 = arith.constant 0 : i32
    %dma_wait3A_104 = tpu.memref_slice %arg21[%dma_wait3A_102, %dma_wait3A_103] : memref<10008x64xf32, #tpu.memory_space<vmem_shared>> -> memref<10008x64xf32, #tpu.memory_space<vmem_shared>>
    tpu.wait_indirect_dma semaphore(%arg31 : memref<!tpu.dma_semaphore, #tpu.memory_space<semaphore_mem>>) src(%arg19 : memref<128x64xf32, #tpu.memory_space<vmem>>) dst(%dma_wait3A_104 : memref<10008x64xf32, #tpu.memory_space<vmem_shared>>)
    %dma_wait3A_105 = arith.constant 1 : i32
    %dma_wait3A_106 = arith.constant 0 : i32
    %dma_wait3A_107 = tpu.memref_slice %arg14[%dma_wait3A_105, %dma_wait3A_106] : memref<4x128xi32, #tpu.memory_space<vmem>> -> memref<1x128xi32, #tpu.memory_space<vmem>>
    %dma_wait3A_108 = tpu.memref_squeeze %dma_wait3A_107 : memref<1x128xi32, #tpu.memory_space<vmem>> -> memref<128xi32, #tpu.memory_space<vmem>>
    %dma_wait3A_109 = arith.constant 0 : i32
    %dma_wait3A_110 = arith.constant 0 : i32
    %dma_wait3A_111 = tpu.memref_slice %arg21[%dma_wait3A_109, %dma_wait3A_110] : memref<10008x64xf32, #tpu.memory_space<vmem_shared>> -> memref<10008x64xf32, #tpu.memory_space<vmem_shared>>
    tpu.wait_indirect_dma semaphore(%arg32 : memref<!tpu.dma_semaphore, #tpu.memory_space<semaphore_mem>>) src(%arg20 : memref<128x64xf32, #tpu.memory_space<vmem>>) dst(%dma_wait3A_111 : memref<10008x64xf32, #tpu.memory_space<vmem_shared>>)
    %barrier3A_112 = arith.constant 0 : index
    tpu.barrier barrier_id(%barrier3A_112)
    "tpu.region"() ({
      %run_scoped3A = tpu.sem_alloc : memref<!tpu.dma_semaphore, #tpu.memory_space<semaphore_mem>>
      %dma_start3A_139 = arith.constant 0 : i32
      %dma_start3A_140 = tpu.memref_slice %arg22[%arg1, %dma_start3A_139] : memref<16x10240xf32, #tpu.memory_space<vmem_shared>> -> memref<1x10240xf32, #tpu.memory_space<vmem_shared>>
      %dma_start3A_141 = tpu.memref_squeeze %dma_start3A_140 : memref<1x10240xf32, #tpu.memory_space<vmem_shared>> -> memref<10240xf32, #tpu.memory_space<vmem_shared>>
      %dma_start3A_142 = arith.constant 0 : i32
      %dma_start3A_143 = tpu.memref_slice %arg22[%arg1, %dma_start3A_142] : memref<16x10240xf32, #tpu.memory_space<vmem_shared>> -> memref<1x10240xf32, #tpu.memory_space<vmem_shared>>
      %dma_start3A_144 = tpu.memref_squeeze %dma_start3A_143 : memref<1x10240xf32, #tpu.memory_space<vmem_shared>> -> memref<10240xf32, #tpu.memory_space<vmem_shared>>
      tpu.enqueue_dma source(%arg17 : memref<10240xf32, #tpu.memory_space<vmem>>) target(%dma_start3A_144 : memref<10240xf32, #tpu.memory_space<vmem_shared>>) target_semaphore(%run_scoped3A : memref<!tpu.dma_semaphore, #tpu.memory_space<semaphore_mem>>)
      %dma_wait3A_145 = arith.constant 0 : i32
      %dma_wait3A_146 = tpu.memref_slice %arg22[%arg1, %dma_wait3A_145] : memref<16x10240xf32, #tpu.memory_space<vmem_shared>> -> memref<1x10240xf32, #tpu.memory_space<vmem_shared>>
      %dma_wait3A_147 = tpu.memref_squeeze %dma_wait3A_146 : memref<1x10240xf32, #tpu.memory_space<vmem_shared>> -> memref<10240xf32, #tpu.memory_space<vmem_shared>>
      %dma_wait3A_148 = arith.constant 0 : i32
      %dma_wait3A_149 = tpu.memref_slice %arg22[%arg1, %dma_wait3A_148] : memref<16x10240xf32, #tpu.memory_space<vmem_shared>> -> memref<1x10240xf32, #tpu.memory_space<vmem_shared>>
      %dma_wait3A_150 = tpu.memref_squeeze %dma_wait3A_149 : memref<1x10240xf32, #tpu.memory_space<vmem_shared>> -> memref<10240xf32, #tpu.memory_space<vmem_shared>>
      tpu.wait_dma2 semaphore(%run_scoped3A : memref<!tpu.dma_semaphore, #tpu.memory_space<semaphore_mem>>) src(%arg17 : memref<10240xf32, #tpu.memory_space<vmem>>) dst(%dma_wait3A_150 : memref<10240xf32, #tpu.memory_space<vmem_shared>>)
      tpu.yield
    }) : () -> ()
    %barrier3A_113 = arith.constant 0 : index
    tpu.barrier barrier_id(%barrier3A_113)
    %mul3A_114 = arith.constant 640 : i32
    %mul3A_115 = arith.muli %arg1, %mul3A_114 : i32
    %multiple_of3A_116 = tpu.assume_multiple %mul3A_115, 8 : i32
    "tpu.region"() ({
      %run_scoped3A = tpu.sem_alloc : memref<!tpu.dma_semaphore, #tpu.memory_space<semaphore_mem>>
      %dma_start3A_139 = arith.constant 0 : i32
      %dma_start3A_140 = tpu.memref_slice %arg22[%dma_start3A_139, %multiple_of3A_116] : memref<16x10240xf32, #tpu.memory_space<vmem_shared>> -> memref<16x640xf32, #tpu.memory_space<vmem_shared>>
      %dma_start3A_141 = arith.constant 0 : i32
      %dma_start3A_142 = tpu.memref_slice %arg22[%dma_start3A_141, %multiple_of3A_116] : memref<16x10240xf32, #tpu.memory_space<vmem_shared>> -> memref<16x640xf32, #tpu.memory_space<vmem_shared>>
      tpu.enqueue_dma source(%dma_start3A_142 : memref<16x640xf32, #tpu.memory_space<vmem_shared>>) target(%arg18 : memref<16x640xf32, #tpu.memory_space<vmem>>) target_semaphore(%run_scoped3A : memref<!tpu.dma_semaphore, #tpu.memory_space<semaphore_mem>>)
      %dma_wait3A_143 = arith.constant 0 : i32
      %dma_wait3A_144 = tpu.memref_slice %arg22[%dma_wait3A_143, %multiple_of3A_116] : memref<16x10240xf32, #tpu.memory_space<vmem_shared>> -> memref<16x640xf32, #tpu.memory_space<vmem_shared>>
      %dma_wait3A_145 = arith.constant 0 : i32
      %dma_wait3A_146 = tpu.memref_slice %arg22[%dma_wait3A_145, %multiple_of3A_116] : memref<16x10240xf32, #tpu.memory_space<vmem_shared>> -> memref<16x640xf32, #tpu.memory_space<vmem_shared>>
      tpu.wait_dma2 semaphore(%run_scoped3A : memref<!tpu.dma_semaphore, #tpu.memory_space<semaphore_mem>>) src(%dma_wait3A_146 : memref<16x640xf32, #tpu.memory_space<vmem_shared>>) dst(%arg18 : memref<16x640xf32, #tpu.memory_space<vmem>>)
      tpu.yield
    }) : () -> ()
    %scan3A_117 = arith.constant 0 : i32
    %scan3A_118 = arith.constant 0 : i32
    %scan3A_119 = arith.constant 40 : i32
    %scan3A_120 = arith.addi %scan3A_118, %scan3A_119 : i32
    %scan3A_121 = arith.constant 1 : i32
    %scan3A_122 = scf.for %scan3A_139 = %scan3A_118 to %scan3A_120 step %scan3A_121 iter_args(%scan3A_140 = %scan3A_117) -> (i32)  : i32 {
      %mul3A_141 = arith.constant 16 : i32
      %mul3A_142 = arith.muli %scan3A_139, %mul3A_141 : i32
      %get3A_143 = arith.constant 0 : i32
      %get3A_144 = arith.index_cast %get3A_143 : i32 to index
      %get3A_145 = arith.index_cast %mul3A_142 : i32 to index
      %get3A_146 = tpu.vector_load %arg18[%get3A_144, %get3A_145] {strides = array<i32>} : memref<16x640xf32, #tpu.memory_space<vmem>>, vector<16xf32>,
      %get3A_147 = arith.constant 1 : i32
      %get3A_148 = arith.index_cast %get3A_147 : i32 to index
      %get3A_149 = arith.index_cast %mul3A_142 : i32 to index
      %get3A_150 = tpu.vector_load %arg18[%get3A_148, %get3A_149] {strides = array<i32>} : memref<16x640xf32, #tpu.memory_space<vmem>>, vector<16xf32>,
      %add3A_151 = arith.addf %get3A_146, %get3A_150 : vector<16xf32>
      %get3A_152 = arith.constant 2 : i32
      %get3A_153 = arith.index_cast %get3A_152 : i32 to index
      %get3A_154 = arith.index_cast %mul3A_142 : i32 to index
      %get3A_155 = tpu.vector_load %arg18[%get3A_153, %get3A_154] {strides = array<i32>} : memref<16x640xf32, #tpu.memory_space<vmem>>, vector<16xf32>,
      %add3A_156 = arith.addf %add3A_151, %get3A_155 : vector<16xf32>
      %get3A_157 = arith.constant 3 : i32
      %get3A_158 = arith.index_cast %get3A_157 : i32 to index
      %get3A_159 = arith.index_cast %mul3A_142 : i32 to index
      %get3A_160 = tpu.vector_load %arg18[%get3A_158, %get3A_159] {strides = array<i32>} : memref<16x640xf32, #tpu.memory_space<vmem>>, vector<16xf32>,
      %add3A_161 = arith.addf %add3A_156, %get3A_160 : vector<16xf32>
      %get3A_162 = arith.constant 4 : i32
      %get3A_163 = arith.index_cast %get3A_162 : i32 to index
      %get3A_164 = arith.index_cast %mul3A_142 : i32 to index
      %get3A_165 = tpu.vector_load %arg18[%get3A_163, %get3A_164] {strides = array<i32>} : memref<16x640xf32, #tpu.memory_space<vmem>>, vector<16xf32>,
      %add3A_166 = arith.addf %add3A_161, %get3A_165 : vector<16xf32>
      %get3A_167 = arith.constant 5 : i32
      %get3A_168 = arith.index_cast %get3A_167 : i32 to index
      %get3A_169 = arith.index_cast %mul3A_142 : i32 to index
      %get3A_170 = tpu.vector_load %arg18[%get3A_168, %get3A_169] {strides = array<i32>} : memref<16x640xf32, #tpu.memory_space<vmem>>, vector<16xf32>,
      %add3A_171 = arith.addf %add3A_166, %get3A_170 : vector<16xf32>
      %get3A_172 = arith.constant 6 : i32
      %get3A_173 = arith.index_cast %get3A_172 : i32 to index
      %get3A_174 = arith.index_cast %mul3A_142 : i32 to index
      %get3A_175 = tpu.vector_load %arg18[%get3A_173, %get3A_174] {strides = array<i32>} : memref<16x640xf32, #tpu.memory_space<vmem>>, vector<16xf32>,
      %add3A_176 = arith.addf %add3A_171, %get3A_175 : vector<16xf32>
      %get3A_177 = arith.constant 7 : i32
      %get3A_178 = arith.index_cast %get3A_177 : i32 to index
      %get3A_179 = arith.index_cast %mul3A_142 : i32 to index
      %get3A_180 = tpu.vector_load %arg18[%get3A_178, %get3A_179] {strides = array<i32>} : memref<16x640xf32, #tpu.memory_space<vmem>>, vector<16xf32>,
      %add3A_181 = arith.addf %add3A_176, %get3A_180 : vector<16xf32>
      %get3A_182 = arith.constant 8 : i32
      %get3A_183 = arith.index_cast %get3A_182 : i32 to index
      %get3A_184 = arith.index_cast %mul3A_142 : i32 to index
      %get3A_185 = tpu.vector_load %arg18[%get3A_183, %get3A_184] {strides = array<i32>} : memref<16x640xf32, #tpu.memory_space<vmem>>, vector<16xf32>,
      %add3A_186 = arith.addf %add3A_181, %get3A_185 : vector<16xf32>
      %get3A_187 = arith.constant 9 : i32
      %get3A_188 = arith.index_cast %get3A_187 : i32 to index
      %get3A_189 = arith.index_cast %mul3A_142 : i32 to index
      %get3A_190 = tpu.vector_load %arg18[%get3A_188, %get3A_189] {strides = array<i32>} : memref<16x640xf32, #tpu.memory_space<vmem>>, vector<16xf32>,
      %add3A_191 = arith.addf %add3A_186, %get3A_190 : vector<16xf32>
      %get3A_192 = arith.constant 10 : i32
      %get3A_193 = arith.index_cast %get3A_192 : i32 to index
      %get3A_194 = arith.index_cast %mul3A_142 : i32 to index
      %get3A_195 = tpu.vector_load %arg18[%get3A_193, %get3A_194] {strides = array<i32>} : memref<16x640xf32, #tpu.memory_space<vmem>>, vector<16xf32>,
      %add3A_196 = arith.addf %add3A_191, %get3A_195 : vector<16xf32>
      %get3A_197 = arith.constant 11 : i32
      %get3A_198 = arith.index_cast %get3A_197 : i32 to index
      %get3A_199 = arith.index_cast %mul3A_142 : i32 to index
      %get3A_200 = tpu.vector_load %arg18[%get3A_198, %get3A_199] {strides = array<i32>} : memref<16x640xf32, #tpu.memory_space<vmem>>, vector<16xf32>,
      %add3A_201 = arith.addf %add3A_196, %get3A_200 : vector<16xf32>
      %get3A_202 = arith.constant 12 : i32
      %get3A_203 = arith.index_cast %get3A_202 : i32 to index
      %get3A_204 = arith.index_cast %mul3A_142 : i32 to index
      %get3A_205 = tpu.vector_load %arg18[%get3A_203, %get3A_204] {strides = array<i32>} : memref<16x640xf32, #tpu.memory_space<vmem>>, vector<16xf32>,
      %add3A_206 = arith.addf %add3A_201, %get3A_205 : vector<16xf32>
      %get3A_207 = arith.constant 13 : i32
      %get3A_208 = arith.index_cast %get3A_207 : i32 to index
      %get3A_209 = arith.index_cast %mul3A_142 : i32 to index
      %get3A_210 = tpu.vector_load %arg18[%get3A_208, %get3A_209] {strides = array<i32>} : memref<16x640xf32, #tpu.memory_space<vmem>>, vector<16xf32>,
      %add3A_211 = arith.addf %add3A_206, %get3A_210 : vector<16xf32>
      %get3A_212 = arith.constant 14 : i32
      %get3A_213 = arith.index_cast %get3A_212 : i32 to index
      %get3A_214 = arith.index_cast %mul3A_142 : i32 to index
      %get3A_215 = tpu.vector_load %arg18[%get3A_213, %get3A_214] {strides = array<i32>} : memref<16x640xf32, #tpu.memory_space<vmem>>, vector<16xf32>,
      %add3A_216 = arith.addf %add3A_211, %get3A_215 : vector<16xf32>
      %get3A_217 = arith.constant 15 : i32
      %get3A_218 = arith.index_cast %get3A_217 : i32 to index
      %get3A_219 = arith.index_cast %mul3A_142 : i32 to index
      %get3A_220 = tpu.vector_load %arg18[%get3A_218, %get3A_219] {strides = array<i32>} : memref<16x640xf32, #tpu.memory_space<vmem>>, vector<16xf32>,
      %add3A_221 = arith.addf %add3A_216, %get3A_220 : vector<16xf32>
      %swap3A_222 = arith.index_cast %mul3A_142 : i32 to index
      %swap3A_223 = tpu.vector_load %arg17[%swap3A_222] {strides = array<i32>} : memref<10240xf32, #tpu.memory_space<vmem>>, vector<16xf32>,
      tpu.vector_store %arg17[%swap3A_222], %add3A_221 {strides = array<i32>} : memref<10240xf32, #tpu.memory_space<vmem>>, vector<16xf32>,
      %scan3A_224 = arith.constant 0 : i32
      scf.yield %scan3A_224 : i32
    }
    %scan3A_123 = arith.constant 40 : i32
    %mul3A_124 = arith.constant 10240 : i32
    %mul3A_125 = arith.muli %arg0, %mul3A_124 : i32
    %add3A_126 = arith.addi %mul3A_125, %multiple_of3A_116 : i32
    "tpu.region"() ({
      %run_scoped3A = tpu.sem_alloc : memref<!tpu.dma_semaphore, #tpu.memory_space<semaphore_mem>>
      %dma_start3A_139 = arith.constant 0 : i32
      %dma_start3A_140 = tpu.memref_slice %arg17[%dma_start3A_139] : memref<10240xf32, #tpu.memory_space<vmem>> -> memref<640xf32, #tpu.memory_space<vmem>>
      %dma_start3A_141 = tpu.memref_slice %arg9[%add3A_126] : memref<20480xf32, #tpu.memory_space<hbm>> -> memref<640xf32, #tpu.memory_space<hbm>>
      %dma_start3A_142 = tpu.memref_slice %arg9[%add3A_126] : memref<20480xf32, #tpu.memory_space<hbm>> -> memref<640xf32, #tpu.memory_space<hbm>>
      %dma_start3A_143 = arith.constant 0 : i32
      %dma_start3A_144 = tpu.memref_slice %arg17[%dma_start3A_143] : memref<10240xf32, #tpu.memory_space<vmem>> -> memref<640xf32, #tpu.memory_space<vmem>>
      tpu.enqueue_dma source(%dma_start3A_144 : memref<640xf32, #tpu.memory_space<vmem>>) target(%dma_start3A_142 : memref<640xf32, #tpu.memory_space<hbm>>) target_semaphore(%run_scoped3A : memref<!tpu.dma_semaphore, #tpu.memory_space<semaphore_mem>>)
      %dma_wait3A_145 = arith.constant 0 : i32
      %dma_wait3A_146 = tpu.memref_slice %arg17[%dma_wait3A_145] : memref<10240xf32, #tpu.memory_space<vmem>> -> memref<640xf32, #tpu.memory_space<vmem>>
      %dma_wait3A_147 = tpu.memref_slice %arg9[%add3A_126] : memref<20480xf32, #tpu.memory_space<hbm>> -> memref<640xf32, #tpu.memory_space<hbm>>
      %dma_wait3A_148 = tpu.memref_slice %arg9[%add3A_126] : memref<20480xf32, #tpu.memory_space<hbm>> -> memref<640xf32, #tpu.memory_space<hbm>>
      %dma_wait3A_149 = arith.constant 0 : i32
      %dma_wait3A_150 = tpu.memref_slice %arg17[%dma_wait3A_149] : memref<10240xf32, #tpu.memory_space<vmem>> -> memref<640xf32, #tpu.memory_space<vmem>>
      tpu.wait_dma2 semaphore(%run_scoped3A : memref<!tpu.dma_semaphore, #tpu.memory_space<semaphore_mem>>) src(%dma_wait3A_150 : memref<640xf32, #tpu.memory_space<vmem>>) dst(%dma_wait3A_148 : memref<640xf32, #tpu.memory_space<hbm>>)
      tpu.yield
    }) : () -> ()
    %while3A_127 = arith.constant 0 : i32
    %while3A_128 = arith.constant 0 : i32
    %while3A_129 = arith.subi %add3A_19, %while3A_127 : i32
    %while3A_130 = arith.addi %while3A_127, %while3A_129 : i32
    %while3A_131 = arith.constant 1 : i32
    %while3A_132 = arith.divsi %while3A_129, %while3A_131 : i32
    %while3A_133 = arith.muli %while3A_132, %while3A_131 : i32
    %while3A_134 = arith.addi %while3A_127, %while3A_133 : i32
    %while3A_135 = arith.constant 1 : i32
    %while3A_136 = scf.for %while3A_139 = %while3A_127 to %while3A_134 step %while3A_135 iter_args(%while3A_140 = %while3A_128) -> (i32)  : i32 {
      %mul3A_141 = arith.constant 16 : i32
      %mul3A_142 = arith.muli %while3A_139, %mul3A_141 : i32
      %add3A_143 = arith.addi %arg1, %mul3A_142 : i32
      %mul3A_144 = arith.constant 8 : i32
      %mul3A_145 = arith.muli %add3A_143, %mul3A_144 : i32
      %mul3A_146 = arith.constant 10000 : i32
      %mul3A_147 = arith.muli %arg0, %mul3A_146 : i32
      %add3A_148 = arith.addi %mul3A_147, %mul3A_145 : i32
      "tpu.region"() ({
        %run_scoped3A = tpu.sem_alloc : memref<!tpu.dma_semaphore, #tpu.memory_space<semaphore_mem>>
        %dma_start3A_150 = arith.constant 0 : i32
        %dma_start3A_151 = tpu.memref_slice %arg8[%add3A_148, %dma_start3A_150] : memref<20000x64xf32, #tpu.memory_space<hbm>> -> memref<8x64xf32, #tpu.memory_space<hbm>>
        %dma_start3A_152 = arith.constant 0 : i32
        %dma_start3A_153 = tpu.memref_slice %arg21[%mul3A_145, %dma_start3A_152] : memref<10008x64xf32, #tpu.memory_space<vmem_shared>> -> memref<8x64xf32, #tpu.memory_space<vmem_shared>>
        tpu.enqueue_dma source(%dma_start3A_153 : memref<8x64xf32, #tpu.memory_space<vmem_shared>>) target(%dma_start3A_151 : memref<8x64xf32, #tpu.memory_space<hbm>>) target_semaphore(%run_scoped3A : memref<!tpu.dma_semaphore, #tpu.memory_space<semaphore_mem>>)
        %dma_wait3A_154 = arith.constant 0 : i32
        %dma_wait3A_155 = tpu.memref_slice %arg8[%add3A_148, %dma_wait3A_154] : memref<20000x64xf32, #tpu.memory_space<hbm>> -> memref<8x64xf32, #tpu.memory_space<hbm>>
        %dma_wait3A_156 = arith.constant 0 : i32
        %dma_wait3A_157 = tpu.memref_slice %arg21[%mul3A_145, %dma_wait3A_156] : memref<10008x64xf32, #tpu.memory_space<vmem_shared>> -> memref<8x64xf32, #tpu.memory_space<vmem_shared>>
        tpu.wait_dma2 semaphore(%run_scoped3A : memref<!tpu.dma_semaphore, #tpu.memory_space<semaphore_mem>>) src(%dma_wait3A_157 : memref<8x64xf32, #tpu.memory_space<vmem_shared>>) dst(%dma_wait3A_155 : memref<8x64xf32, #tpu.memory_space<hbm>>)
        tpu.yield
      }) : () -> ()
      %while3A_149 = arith.constant 0 : i32
      scf.yield %while3A_149 : i32
    }
    %while3A_137 = arith.constant 1 : i32
    %while3A_138 = scf.for %while3A_139 = %while3A_134 to %while3A_130 step %while3A_137 iter_args(%while3A_140 = %while3A_136) -> (i32)  : i32 {
      %mul3A_141 = arith.constant 16 : i32
      %mul3A_142 = arith.muli %while3A_139, %mul3A_141 : i32
      %add3A_143 = arith.addi %arg1, %mul3A_142 : i32
      %mul3A_144 = arith.constant 8 : i32
      %mul3A_145 = arith.muli %add3A_143, %mul3A_144 : i32
      %mul3A_146 = arith.constant 10000 : i32
      %mul3A_147 = arith.muli %arg0, %mul3A_146 : i32
      %add3A_148 = arith.addi %mul3A_147, %mul3A_145 : i32
      "tpu.region"() ({
        %run_scoped3A = tpu.sem_alloc : memref<!tpu.dma_semaphore, #tpu.memory_space<semaphore_mem>>
        %dma_start3A_150 = arith.constant 0 : i32
        %dma_start3A_151 = tpu.memref_slice %arg8[%add3A_148, %dma_start3A_150] : memref<20000x64xf32, #tpu.memory_space<hbm>> -> memref<8x64xf32, #tpu.memory_space<hbm>>
        %dma_start3A_152 = arith.constant 0 : i32
        %dma_start3A_153 = tpu.memref_slice %arg21[%mul3A_145, %dma_start3A_152] : memref<10008x64xf32, #tpu.memory_space<vmem_shared>> -> memref<8x64xf32, #tpu.memory_space<vmem_shared>>
        tpu.enqueue_dma source(%dma_start3A_153 : memref<8x64xf32, #tpu.memory_space<vmem_shared>>) target(%dma_start3A_151 : memref<8x64xf32, #tpu.memory_space<hbm>>) target_semaphore(%run_scoped3A : memref<!tpu.dma_semaphore, #tpu.memory_space<semaphore_mem>>)
        %dma_wait3A_154 = arith.constant 0 : i32
        %dma_wait3A_155 = tpu.memref_slice %arg8[%add3A_148, %dma_wait3A_154] : memref<20000x64xf32, #tpu.memory_space<hbm>> -> memref<8x64xf32, #tpu.memory_space<hbm>>
        %dma_wait3A_156 = arith.constant 0 : i32
        %dma_wait3A_157 = tpu.memref_slice %arg21[%mul3A_145, %dma_wait3A_156] : memref<10008x64xf32, #tpu.memory_space<vmem_shared>> -> memref<8x64xf32, #tpu.memory_space<vmem_shared>>
        tpu.wait_dma2 semaphore(%run_scoped3A : memref<!tpu.dma_semaphore, #tpu.memory_space<semaphore_mem>>) src(%dma_wait3A_157 : memref<8x64xf32, #tpu.memory_space<vmem_shared>>) dst(%dma_wait3A_155 : memref<8x64xf32, #tpu.memory_space<hbm>>)
        tpu.yield
      }) : () -> ()
      %while3A_149 = arith.constant 0 : i32
      scf.yield %while3A_149 : i32
    }
    return
  }
}

module attributes {stable_mosaic.version = 14 : i64} {
  func.func @_k2_body(%arg0: memref<20000x64xf32, #tpu.memory_space<vmem>>, %arg1: memref<20000x2xf32, #tpu.memory_space<vmem>>, %arg2: memref<20000x64xf32, #tpu.memory_space<vmem>>, %arg3: memref<20000x1xf32, #tpu.memory_space<vmem>>, %arg4: memref<2x16xf32, #tpu.memory_space<vmem>>) attributes {dimension_semantics = [], scalar_prefetch = 0 : i64, scratch_operands = 0 : i64, tpu.core_type = #tpu.core_type<tc>} {
    %get3A = arith.constant 0 : index
    %get3A_0 = arith.constant 0 : index
    %get3A_1 = vector.load %arg1[%get3A, %get3A_0] : memref<20000x2xf32, #tpu.memory_space<vmem>>, vector<20000x1xf32>
    %get3A_2 = arith.constant 0 : index
    %get3A_3 = arith.constant 1 : index
    %get3A_4 = vector.load %arg1[%get3A_2, %get3A_3] : memref<20000x2xf32, #tpu.memory_space<vmem>>, vector<20000x1xf32>
    %slice3A = vector.extract_strided_slice %get3A_1 {offsets = [0, 0], sizes = [10000, 1], strides = [1, 1]} : vector<20000x1xf32> to vector<10000x1xf32>
    %reduce_max3A = vector.shape_cast %slice3A : vector<10000x1xf32> to vector<1x10000x1xf32>
    %reduce_max3A_5 = arith.constant dense<0xFF800000> : vector<1xf32>
    %reduce_max3A_6 = vector.multi_reduction <maximumf>, %reduce_max3A, %reduce_max3A_5 [1, 2] : vector<1x10000x1xf32> to vector<1xf32>
    %reduce_max3A_7 = vector.shape_cast %reduce_max3A_6 : vector<1xf32> to vector<1x1x1xf32>
    %reduce_max3A_8 = vector.extract %reduce_max3A_7[0, 0, 0] : f32 from vector<1x1x1xf32>
    %slice3A_9 = vector.extract_strided_slice %get3A_4 {offsets = [0, 0], sizes = [10000, 1], strides = [1, 1]} : vector<20000x1xf32> to vector<10000x1xf32>
    %reduce_max3A_10 = vector.shape_cast %slice3A_9 : vector<10000x1xf32> to vector<1x10000x1xf32>
    %reduce_max3A_11 = arith.constant dense<0xFF800000> : vector<1xf32>
    %reduce_max3A_12 = vector.multi_reduction <maximumf>, %reduce_max3A_10, %reduce_max3A_11 [1, 2] : vector<1x10000x1xf32> to vector<1xf32>
    %reduce_max3A_13 = vector.shape_cast %reduce_max3A_12 : vector<1xf32> to vector<1x1x1xf32>
    %reduce_max3A_14 = vector.extract %reduce_max3A_13[0, 0, 0] : f32 from vector<1x1x1xf32>
    %add3A = arith.addf %reduce_max3A_8, %reduce_max3A_14 : f32
    %ge3A = arith.constant 0.000000e+00 : f32
    %ge3A_15 = arith.cmpf oge, %add3A, %ge3A : f32
    %mul3A = arith.constant 2.000000e-01 : f32
    %mul3A_16 = arith.mulf %mul3A, %add3A : f32
    %select_n3A = arith.select %ge3A_15, %add3A, %mul3A_16 : f32
    %slice3A_17 = vector.extract_strided_slice %get3A_1 {offsets = [10000, 0], sizes = [10000, 1], strides = [1, 1]} : vector<20000x1xf32> to vector<10000x1xf32>
    %reduce_max3A_18 = vector.shape_cast %slice3A_17 : vector<10000x1xf32> to vector<1x10000x1xf32>
    %reduce_max3A_19 = arith.constant dense<0xFF800000> : vector<1xf32>
    %reduce_max3A_20 = vector.multi_reduction <maximumf>, %reduce_max3A_18, %reduce_max3A_19 [1, 2] : vector<1x10000x1xf32> to vector<1xf32>
    %reduce_max3A_21 = vector.shape_cast %reduce_max3A_20 : vector<1xf32> to vector<1x1x1xf32>
    %reduce_max3A_22 = vector.extract %reduce_max3A_21[0, 0, 0] : f32 from vector<1x1x1xf32>
    %slice3A_23 = vector.extract_strided_slice %get3A_4 {offsets = [10000, 0], sizes = [10000, 1], strides = [1, 1]} : vector<20000x1xf32> to vector<10000x1xf32>
    %reduce_max3A_24 = vector.shape_cast %slice3A_23 : vector<10000x1xf32> to vector<1x10000x1xf32>
    %reduce_max3A_25 = arith.constant dense<0xFF800000> : vector<1xf32>
    %reduce_max3A_26 = vector.multi_reduction <maximumf>, %reduce_max3A_24, %reduce_max3A_25 [1, 2] : vector<1x10000x1xf32> to vector<1xf32>
    %reduce_max3A_27 = vector.shape_cast %reduce_max3A_26 : vector<1xf32> to vector<1x1x1xf32>
    %reduce_max3A_28 = vector.extract %reduce_max3A_27[0, 0, 0] : f32 from vector<1x1x1xf32>
    %add3A_29 = arith.addf %reduce_max3A_22, %reduce_max3A_28 : f32
    %ge3A_30 = arith.constant 0.000000e+00 : f32
    %ge3A_31 = arith.cmpf oge, %add3A_29, %ge3A_30 : f32
    %mul3A_32 = arith.constant 2.000000e-01 : f32
    %mul3A_33 = arith.mulf %mul3A_32, %add3A_29 : f32
    %select_n3A_34 = arith.select %ge3A_31, %add3A_29, %mul3A_33 : f32
    %iota3A = tpu.iota {dimensions = array<i32: 0>} : vector<20000x1xi32>
    %lt3A = arith.constant 10000 : i32
    %lt3A_35 = vector.broadcast %lt3A : i32 to vector<20000x1xi32>
    %lt3A_36 = arith.cmpi slt, %iota3A, %lt3A_35 : vector<20000x1xi32>
    %broadcast_in_dim3A = vector.broadcast %select_n3A : f32 to vector<20000x1xf32>
    %broadcast_in_dim3A_37 = vector.broadcast %select_n3A_34 : f32 to vector<20000x1xf32>
    %select_n3A_38 = arith.select %lt3A_36, %broadcast_in_dim3A, %broadcast_in_dim3A_37 : vector<20000x1xi1>, vector<20000x1xf32>
    %add3A_39 = arith.addf %get3A_1, %get3A_4 : vector<20000x1xf32>
    %ge3A_40 = arith.constant 0.000000e+00 : f32
    %ge3A_41 = vector.broadcast %ge3A_40 : f32 to vector<20000x1xf32>
    %ge3A_42 = arith.cmpf oge, %add3A_39, %ge3A_41 : vector<20000x1xf32>
    %mul3A_43 = arith.constant 2.000000e-01 : f32
    %mul3A_44 = vector.broadcast %mul3A_43 : f32 to vector<20000x1xf32>
    %mul3A_45 = arith.mulf %mul3A_44, %add3A_39 : vector<20000x1xf32>
    %select_n3A_46 = arith.select %ge3A_42, %add3A_39, %mul3A_45 : vector<20000x1xi1>, vector<20000x1xf32>
    %sub3A = arith.subf %select_n3A_46, %select_n3A_38 : vector<20000x1xf32>
    %exp3A = math.exp %sub3A : vector<20000x1xf32>
    %get3A_47 = arith.constant 0 : index
    %get3A_48 = arith.constant 0 : index
    %get3A_49 = vector.load %arg0[%get3A_47, %get3A_48] : memref<20000x64xf32, #tpu.memory_space<vmem>>, vector<20000x64xf32>
    %mul3A_50 = vector.broadcast %exp3A : vector<20000x1xf32> to vector<20000x64xf32>
    %mul3A_51 = arith.mulf %get3A_49, %mul3A_50 : vector<20000x64xf32>
    %swap3A = arith.constant 0 : index
    %swap3A_52 = arith.constant 0 : index
    %swap3A_53 = vector.load %arg2[%swap3A, %swap3A_52] : memref<20000x64xf32, #tpu.memory_space<vmem>>, vector<20000x64xf32>
    tpu.vector_store %arg2[%swap3A, %swap3A_52], %mul3A_51 {strides = array<i32>} : memref<20000x64xf32, #tpu.memory_space<vmem>>, vector<20000x64xf32>,
    %swap3A_54 = arith.constant 0 : index
    %swap3A_55 = arith.constant 0 : index
    %swap3A_56 = vector.load %arg3[%swap3A_54, %swap3A_55] : memref<20000x1xf32, #tpu.memory_space<vmem>>, vector<20000x1xf32>
    tpu.vector_store %arg3[%swap3A_54, %swap3A_55], %exp3A {strides = array<i32>} : memref<20000x1xf32, #tpu.memory_space<vmem>>, vector<20000x1xf32>,
    %broadcast_in_dim3A_57 = vector.broadcast %select_n3A : f32 to vector<1x16xf32>
    %broadcast_in_dim3A_58 = vector.broadcast %select_n3A_34 : f32 to vector<1x16xf32>
    %concatenate3A = tpu.concatenate %broadcast_in_dim3A_57, %broadcast_in_dim3A_58 in 0 : vector<1x16xf32>, vector<1x16xf32> -> vector<2x16xf32>
    %swap3A_59 = arith.constant 0 : index
    %swap3A_60 = arith.constant 0 : index
    %swap3A_61 = vector.load %arg4[%swap3A_59, %swap3A_60] : memref<2x16xf32, #tpu.memory_space<vmem>>, vector<2x16xf32>
    tpu.vector_store %arg4[%swap3A_59, %swap3A_60], %concatenate3A {strides = array<i32>} : memref<2x16xf32, #tpu.memory_space<vmem>>, vector<2x16xf32>,
    return
  }
}

module attributes {stable_mosaic.version = 14 : i64} {
  func.func @_k1_body(%arg0: i32, %arg1: i32, %arg2: memref<1000x128xf32, #tpu.memory_space<vmem>>, %arg3: memref<1x128x64xf32, #tpu.memory_space<vmem>>, %arg4: memref<1x2x64xf32, #tpu.memory_space<vmem>>, %arg5: memref<1000x64xf32, #tpu.memory_space<vmem>>, %arg6: memref<1000x2xf32, #tpu.memory_space<vmem>>) attributes {dimension_semantics = [#tpu.dimension_semantics<arbitrary>, #tpu.dimension_semantics<arbitrary>], iteration_bounds = array<i64: 2, 10>, scalar_prefetch = 0 : i64, scratch_operands = 0 : i64, tpu.core_type = #tpu.core_type<tc>, window_params = [{transform_indices = @transform_0, window_bounds = array<i64: 1000, 128>}, {transform_indices = @transform_1, window_bounds = array<i64: 1, 128, 64>}, {transform_indices = @transform_2, window_bounds = array<i64: 1, 2, 64>}, {transform_indices = @transform_3, window_bounds = array<i64: 1000, 64>}, {transform_indices = @transform_4, window_bounds = array<i64: 1000, 2>}]} {
    %get3A = arith.constant 0 : index
    %get3A_0 = arith.constant 0 : index
    %get3A_1 = vector.load %arg2[%get3A, %get3A_0] : memref<1000x128xf32, #tpu.memory_space<vmem>>, vector<1000x128xf32>
    %get3A_2 = arith.constant 0 : index
    %get3A_3 = arith.constant 0 : index
    %get3A_4 = arith.constant 0 : index
    %get3A_5 = vector.load %arg3[%get3A_2, %get3A_3, %get3A_4] : memref<1x128x64xf32, #tpu.memory_space<vmem>>, vector<1x128x64xf32>
    %get3A_6 = vector.shape_cast %get3A_5 : vector<1x128x64xf32> to vector<128x64xf32>
    %dot_general3A = arith.constant dense<0.000000e+00> : vector<1000x64xf32>
    %dot_general3A_7 = tpu.matmul %get3A_1, %get3A_6, %dot_general3A {dimension_numbers = #tpu.dot_dimension_numbers<[1], [0], [0], [1], [0, 0, 1, 1], [], []>, transpose_lhs_hint = false} : vector<1000x128xf32>, vector<128x64xf32>, vector<1000x64xf32> -> vector<1000x64xf32>
    %swap3A = arith.constant 0 : index
    %swap3A_8 = arith.constant 0 : index
    %swap3A_9 = vector.load %arg5[%swap3A, %swap3A_8] : memref<1000x64xf32, #tpu.memory_space<vmem>>, vector<1000x64xf32>
    tpu.vector_store %arg5[%swap3A, %swap3A_8], %dot_general3A_7 {strides = array<i32>} : memref<1000x64xf32, #tpu.memory_space<vmem>>, vector<1000x64xf32>,
    %get3A_10 = arith.constant 0 : index
    %get3A_11 = arith.constant 0 : index
    %get3A_12 = arith.constant 0 : index
    %get3A_13 = vector.load %arg4[%get3A_10, %get3A_11, %get3A_12] : memref<1x2x64xf32, #tpu.memory_space<vmem>>, vector<1x1x64xf32>
    %get3A_14 = vector.shape_cast %get3A_13 : vector<1x1x64xf32> to vector<64xf32>
    %broadcast_in_dim3A = vector.shape_cast %get3A_14 : vector<64xf32> to vector<64x1xf32>
    %dot_general3A_15 = arith.constant dense<0.000000e+00> : vector<1000x1xf32>
    %dot_general3A_16 = tpu.matmul %dot_general3A_7, %broadcast_in_dim3A, %dot_general3A_15 {dimension_numbers = #tpu.dot_dimension_numbers<[1], [0], [0], [1], [0, 0, 1, 1], [], []>, transpose_lhs_hint = false} : vector<1000x64xf32>, vector<64x1xf32>, vector<1000x1xf32> -> vector<1000x1xf32>
    %get3A_17 = arith.constant 0 : index
    %get3A_18 = arith.constant 1 : index
    %get3A_19 = arith.constant 0 : index
    %get3A_20 = vector.load %arg4[%get3A_17, %get3A_18, %get3A_19] : memref<1x2x64xf32, #tpu.memory_space<vmem>>, vector<1x1x64xf32>
    %get3A_21 = vector.shape_cast %get3A_20 : vector<1x1x64xf32> to vector<64xf32>
    %broadcast_in_dim3A_22 = vector.shape_cast %get3A_21 : vector<64xf32> to vector<64x1xf32>
    %dot_general3A_23 = arith.constant dense<0.000000e+00> : vector<1000x1xf32>
    %dot_general3A_24 = tpu.matmul %dot_general3A_7, %broadcast_in_dim3A_22, %dot_general3A_23 {dimension_numbers = #tpu.dot_dimension_numbers<[1], [0], [0], [1], [0, 0, 1, 1], [], []>, transpose_lhs_hint = false} : vector<1000x64xf32>, vector<64x1xf32>, vector<1000x1xf32> -> vector<1000x1xf32>
    %concatenate3A = tpu.concatenate %dot_general3A_16, %dot_general3A_24 in 1 : vector<1000x1xf32>, vector<1000x1xf32> -> vector<1000x2xf32>
    %swap3A_25 = arith.constant 0 : index
    %swap3A_26 = arith.constant 0 : index
    %swap3A_27 = vector.load %arg6[%swap3A_25, %swap3A_26] : memref<1000x2xf32, #tpu.memory_space<vmem>>, vector<1000x2xf32>
    tpu.vector_store %arg6[%swap3A_25, %swap3A_26], %concatenate3A {strides = array<i32>} : memref<1000x2xf32, #tpu.memory_space<vmem>>, vector<1000x2xf32>,
    return
  }
  func.func @transform_0(%arg0: i32, %arg1: i32) -> (i32, i32) {
    %c0_i32 = arith.constant 0 : i32
    %c0_i32_0 = arith.constant 0 : i32
    return %arg1, %c0_i32 : i32, i32
  }
  func.func @transform_1(%arg0: i32, %arg1: i32) -> (i32, i32, i32) {
    %c0_i32 = arith.constant 0 : i32
    %c0_i32_0 = arith.constant 0 : i32
    %c0_i32_1 = arith.constant 0 : i32
    return %arg0, %c0_i32, %c0_i32_0 : i32, i32, i32
  }
  func.func @transform_2(%arg0: i32, %arg1: i32) -> (i32, i32, i32) {
    %c0_i32 = arith.constant 0 : i32
    %c0_i32_0 = arith.constant 0 : i32
    %c0_i32_1 = arith.constant 0 : i32
    return %arg0, %c0_i32, %c0_i32_0 : i32, i32, i32
  }
  func.func @transform_3(%arg0: i32, %arg1: i32) -> (i32, i32) {
    %mul3A = arith.constant 10 : i32
    %mul3A_0 = arith.muli %arg0, %mul3A : i32
    %add3A = arith.addi %mul3A_0, %arg1 : i32
    %c0_i32 = arith.constant 0 : i32
    %c0_i32_1 = arith.constant 0 : i32
    return %add3A, %c0_i32 : i32, i32
  }
  func.func @transform_4(%arg0: i32, %arg1: i32) -> (i32, i32) {
    %mul3A = arith.constant 10 : i32
    %mul3A_0 = arith.muli %arg0, %mul3A : i32
    %add3A = arith.addi %mul3A_0, %arg1 : i32
    %c0_i32 = arith.constant 0 : i32
    %c0_i32_1 = arith.constant 0 : i32
    return %add3A, %c0_i32 : i32, i32
  }
}

module attributes {stable_mosaic.version = 14 : i64} {
  func.func @_k3_body(%arg0: memref<20000x64xf32, #tpu.memory_space<vmem>>, %arg1: memref<20000x1xf32, #tpu.memory_space<vmem>>, %arg2: memref<20000x1xf32, #tpu.memory_space<vmem>>, %arg3: memref<64xf32, #tpu.memory_space<vmem>>, %arg4: memref<64xf32, #tpu.memory_space<vmem>>, %arg5: memref<128x128xf32, #tpu.memory_space<vmem>>, %arg6: memref<128xf32, #tpu.memory_space<vmem>>, %arg7: memref<128xf32, #tpu.memory_space<vmem>>, %arg8: memref<128xf32, #tpu.memory_space<vmem>>, %arg9: memref<10000x128xf32, #tpu.memory_space<vmem>>) attributes {dimension_semantics = [], scalar_prefetch = 0 : i64, scratch_operands = 0 : i64, tpu.core_type = #tpu.core_type<tc>} {
    %get3A = arith.constant 0 : index
    %get3A_0 = arith.constant 0 : index
    %get3A_1 = vector.load %arg1[%get3A, %get3A_0] : memref<20000x1xf32, #tpu.memory_space<vmem>>, vector<20000x1xf32>
    %get3A_2 = arith.constant 0 : index
    %get3A_3 = arith.constant 0 : index
    %get3A_4 = vector.load %arg2[%get3A_2, %get3A_3] : memref<20000x1xf32, #tpu.memory_space<vmem>>, vector<20000x1xf32>
    %add3A = arith.addf %get3A_1, %get3A_4 : vector<20000x1xf32>
    %get3A_5 = arith.constant 0 : index
    %get3A_6 = arith.constant 0 : index
    %get3A_7 = vector.load %arg0[%get3A_5, %get3A_6] : memref<20000x64xf32, #tpu.memory_space<vmem>>, vector<20000x64xf32>
    %div3A = vector.broadcast %add3A : vector<20000x1xf32> to vector<20000x64xf32>
    %div3A_8 = arith.divf %get3A_7, %div3A : vector<20000x64xf32>
    %slice3A = vector.extract_strided_slice %div3A_8 {offsets = [0, 0], sizes = [10000, 64], strides = [1, 1]} : vector<20000x64xf32> to vector<10000x64xf32>
    %get3A_9 = arith.constant 0 : index
    %get3A_10 = vector.load %arg3[%get3A_9] : memref<64xf32, #tpu.memory_space<vmem>>, vector<64xf32>
    %broadcast_in_dim3A = vector.shape_cast %get3A_10 : vector<64xf32> to vector<1x64xf32>
    %add3A_11 = vector.broadcast %broadcast_in_dim3A : vector<1x64xf32> to vector<10000x64xf32>
    %add3A_12 = arith.addf %slice3A, %add3A_11 : vector<10000x64xf32>
    %slice3A_13 = vector.extract_strided_slice %div3A_8 {offsets = [10000, 0], sizes = [10000, 64], strides = [1, 1]} : vector<20000x64xf32> to vector<10000x64xf32>
    %get3A_14 = arith.constant 0 : index
    %get3A_15 = vector.load %arg4[%get3A_14] : memref<64xf32, #tpu.memory_space<vmem>>, vector<64xf32>
    %broadcast_in_dim3A_16 = vector.shape_cast %get3A_15 : vector<64xf32> to vector<1x64xf32>
    %add3A_17 = vector.broadcast %broadcast_in_dim3A_16 : vector<1x64xf32> to vector<10000x64xf32>
    %add3A_18 = arith.addf %slice3A_13, %add3A_17 : vector<10000x64xf32>
    %concatenate3A = tpu.concatenate %add3A_12, %add3A_18 in 1 : vector<10000x64xf32>, vector<10000x64xf32> -> vector<10000x128xf32>
    %get3A_19 = arith.constant 0 : index
    %get3A_20 = arith.constant 0 : index
    %get3A_21 = vector.load %arg5[%get3A_19, %get3A_20] : memref<128x128xf32, #tpu.memory_space<vmem>>, vector<128x128xf32>
    %dot_general3A = arith.constant dense<0.000000e+00> : vector<10000x128xf32>
    %dot_general3A_22 = tpu.matmul %concatenate3A, %get3A_21, %dot_general3A {dimension_numbers = #tpu.dot_dimension_numbers<[1], [0], [0], [1], [0, 0, 1, 1], [], []>, transpose_lhs_hint = false} : vector<10000x128xf32>, vector<128x128xf32>, vector<10000x128xf32> -> vector<10000x128xf32>
    %get3A_23 = arith.constant 0 : index
    %get3A_24 = vector.load %arg6[%get3A_23] : memref<128xf32, #tpu.memory_space<vmem>>, vector<128xf32>
    %broadcast_in_dim3A_25 = vector.shape_cast %get3A_24 : vector<128xf32> to vector<1x128xf32>
    %add3A_26 = vector.broadcast %broadcast_in_dim3A_25 : vector<1x128xf32> to vector<10000x128xf32>
    %add3A_27 = arith.addf %dot_general3A_22, %add3A_26 : vector<10000x128xf32>
    %reduce_sum3A = arith.constant dense<0.000000e+00> : vector<128xf32>
    %reduce_sum3A_28 = vector.multi_reduction <add>, %add3A_27, %reduce_sum3A [0] : vector<10000x128xf32> to vector<128xf32>
    %broadcast_in_dim3A_29 = vector.shape_cast %reduce_sum3A_28 : vector<128xf32> to vector<1x128xf32>
    %div3A_30 = arith.constant 1.000000e+04 : f32
    %div3A_31 = vector.broadcast %div3A_30 : f32 to vector<1x128xf32>
    %div3A_32 = arith.divf %broadcast_in_dim3A_29, %div3A_31 : vector<1x128xf32>
    %sub3A = vector.broadcast %div3A_32 : vector<1x128xf32> to vector<10000x128xf32>
    %sub3A_33 = arith.subf %add3A_27, %sub3A : vector<10000x128xf32>
    %integer_pow3A = arith.mulf %sub3A_33, %sub3A_33 : vector<10000x128xf32>
    %reduce_sum3A_34 = arith.constant dense<0.000000e+00> : vector<128xf32>
    %reduce_sum3A_35 = vector.multi_reduction <add>, %integer_pow3A, %reduce_sum3A_34 [0] : vector<10000x128xf32> to vector<128xf32>
    %broadcast_in_dim3A_36 = vector.shape_cast %reduce_sum3A_35 : vector<128xf32> to vector<1x128xf32>
    %div3A_37 = arith.constant 1.000000e+04 : f32
    %div3A_38 = vector.broadcast %div3A_37 : f32 to vector<1x128xf32>
    %div3A_39 = arith.divf %broadcast_in_dim3A_36, %div3A_38 : vector<1x128xf32>
    %sub3A_40 = vector.broadcast %div3A_32 : vector<1x128xf32> to vector<10000x128xf32>
    %sub3A_41 = arith.subf %add3A_27, %sub3A_40 : vector<10000x128xf32>
    %add3A_42 = arith.constant 9.99999974E-6 : f32
    %add3A_43 = vector.broadcast %add3A_42 : f32 to vector<1x128xf32>
    %add3A_44 = arith.addf %div3A_39, %add3A_43 : vector<1x128xf32>
    %sqrt3A = math.sqrt %add3A_44 : vector<1x128xf32>
    %div3A_45 = vector.broadcast %sqrt3A : vector<1x128xf32> to vector<10000x128xf32>
    %div3A_46 = arith.divf %sub3A_41, %div3A_45 : vector<10000x128xf32>
    %get3A_47 = arith.constant 0 : index
    %get3A_48 = vector.load %arg7[%get3A_47] : memref<128xf32, #tpu.memory_space<vmem>>, vector<128xf32>
    %broadcast_in_dim3A_49 = vector.shape_cast %get3A_48 : vector<128xf32> to vector<1x128xf32>
    %mul3A = vector.broadcast %broadcast_in_dim3A_49 : vector<1x128xf32> to vector<10000x128xf32>
    %mul3A_50 = arith.mulf %div3A_46, %mul3A : vector<10000x128xf32>
    %get3A_51 = arith.constant 0 : index
    %get3A_52 = vector.load %arg8[%get3A_51] : memref<128xf32, #tpu.memory_space<vmem>>, vector<128xf32>
    %broadcast_in_dim3A_53 = vector.shape_cast %get3A_52 : vector<128xf32> to vector<1x128xf32>
    %add3A_54 = vector.broadcast %broadcast_in_dim3A_53 : vector<1x128xf32> to vector<10000x128xf32>
    %add3A_55 = arith.addf %mul3A_50, %add3A_54 : vector<10000x128xf32>
    %max3A = arith.constant 0.000000e+00 : f32
    %max3A_56 = vector.broadcast %max3A : f32 to vector<10000x128xf32>
    %max3A_57 = arith.maximumf %add3A_55, %max3A_56 : vector<10000x128xf32>
    %swap3A = arith.constant 0 : index
    %swap3A_58 = arith.constant 0 : index
    %swap3A_59 = vector.load %arg9[%swap3A, %swap3A_58] : memref<10000x128xf32, #tpu.memory_space<vmem>>, vector<10000x128xf32>
    tpu.vector_store %arg9[%swap3A, %swap3A_58], %max3A_57 {strides = array<i32>} : memref<10000x128xf32, #tpu.memory_space<vmem>>, vector<10000x128xf32>,
    return
  }
}

</mosaic_0001>

<sc_bundles>
// kernel: kernel.6.cloned.1.call-start
scs
__scs_entry_jumppad:
0x0: {  	(pc) =	sbr.rel $0x88, $3  }
0x1: {  	(tag) =	ssettag $0x0;
	lr =	simm.s32 $0x1  }
0x2: {  	[smem:$0x3F93] =	sst lr;
	_ =	strace $0xD0000000  }
0x3: {  	_ = 	snop  }
0x4: {  	_ = 	snop  }
0x5: {  	_ = 	snop  }
0x6: {  	_ = 	snop  }
0x7: {  	_ = 	snop  }
__scs_overlays_trampoline_lowered:
0x8: {  	[smem:$0x3FA2] =	sst s0  }
0x9: {  	[smem:$0x3FA3] =	sst s1  }
0xa: {  	[smem:$0x3FA4] =	sst s2  }
0xb: {  	[smem:$0x3FA5] =	sst s3  }
0xc: {  	[smem:$0x3FA6] =	sst s4  }
0xd: {  	[smem:$0x3FA7] =	sst s5  }
0xe: {  	[smem:$0x3FA8] =	sst s6  }
0xf: {  	[smem:$0x3FA9] =	sst s7  }
0x10: {  	[smem:$0x3FAA] =	sst s8  }
0x11: {  	[smem:$0x3FAB] =	sst s9;
	s0 =	simm.s32 @!p0 $0x0  }
0x12: {  	s1 =	sld [smem:$0x3F91];
	s0 =	simm.s32 @p0 $0x1  }
0x13: {  	[smem:$0x3FAC] =	sst s0;
	s0 =	simm.s32 @!p1 $0x0  }
0x14: {  	s2 =	sld [smem:$0x3F90];
	s0 =	simm.s32 @p1 $0x1  }
0x15: {  	[smem:$0x3FAD] =	sst s0;
	s0 =	simm.s32 @!p2 $0x0  }
0x16: {  	s3 =	sld [smem:$0x3FDB];
	s0 =	simm.s32 @p2 $0x1  }
0x17: {  	s4 =	simm.s32 $0x1BF5;
	[smem:$0x3FAF] =	sst s0  }
0x18: {  	s0 =	sld [smem:$0x3F92];
	_ =	swait.ge [sflag:s4], $0x0  }
0x19: {  	s7 =	sld [smem:$0x3F93]  }
0x1a: {  	s8 =	sadd.s32 $0xFFFFE003, lr  }
0x1b: {  	s9 =	sadd.s32 $0xFFFFFEF7, lr;
	s5 =	simm.s32 $0xFFFFFFFF;
	p2 =	slt.u32 s8, $0xFFFFF086  }
0x1c: {  	p1 =	slt.u32 s9, $0xF7A;
	s5 =	simm.s32 @!p2 $0x0  }
0x1d: {  	s5 =	simm.s32 @p1 $0x1;
	p0 =	seq.s32 s7, s2  }
0x1e: {  	s7 =	smul.u32 @!p0 $0xF7A, s2;
	p2 =	seq.s32 @!p0 s5, $0x0  }
0x1f: {  	s9 =	smul.u32 $0xF7A, s1;
	s8 =	simm.s32 @!p0 $0x1BF5;
	p2 =	por !p2, p0  }
0x20: {  	[sflag:s8] =	ssyncset.s32 @!p0 $0xFFFFF086;
	s6 =	sadd.s32 @!p0 s3, s7;
	s7 =	simm.s32 @!p0 $0x108  }
0x21: {  	s3 =	sadd.s32 s3, s9;
	s6 =	sadd.s32 @!p0 $0x88, s6;
	s7 =	simm.s32 @p2 $0x1082  }
0x22: {  	[simem:s7], [sflag:s8] =	dma.local @!p0 [hbm:s6], $0xF7A  }
0x23: {  	s9 =	sor.u32 $0xD0000000, s2;
	s6 =	simm.s32 $0x108;
	_ =	swait.ge @!p0 [sflag:s8], $0x0  }
0x24: {  	s3 =	sadd.s32 $0x88, s3;
	s6 =	simm.s32 @!p1 $0x1082;
	[sflag:s4] =	ssyncset.s32 $0xFFFFF086  }
0x25: {  	[simem:s6], [sflag:s4] =	dma.local [hbm:s3], $0xF7A  }
0x26: {  	[smem:$0x3F93] =	sst s1;
	(tag) =	ssettag s2;
	_ =	strace s9  }
0x27: {  	s1 =	sld [smem:$0x3FA3]  }
0x28: {  	s2 =	sld [smem:$0x3FA4]  }
0x29: {  	s4 =	sld [smem:$0x3FA6]  }
0x2a: {  	p0 =	seq.s32 s5, $0x0;
	s5 =	sld [smem:$0x3FA7]  }
0x2b: {  	s6 =	sld [smem:$0x3FA8]  }
0x2c: {  	s7 =	sld [smem:$0x3FA9]  }
0x2d: {  	s3 =	simm.s32 $0x108;
	s8 =	sld [smem:$0x3FAA]  }
0x2e: {  	s3 =	simm.s32 @!p0 $0x1082;
	s9 =	sld [smem:$0x3FAB]  }
0x2f: {  	lr =	sadd.s32 s0, s3;
	s0 =	sld [smem:$0x3FA2]  }
0x30: {  	s3 =	sld [smem:$0x3FA5]  }
0x31: {  	[smem:$0x3FAE] =	sst s10  }
0x32: {  	s10 =	sld [smem:$0x3FAC];
	_ =	sdelay $0x3  }
0x33: {  	p0 =	seq.s32 s10, $0x1;
	s10 =	sld [smem:$0x3FAE];
	_ =	sdelay $0x3  }
0x34: {  	[smem:$0x3FAE] =	sst s10  }
0x35: {  	s10 =	sld [smem:$0x3FAD];
	_ =	sdelay $0x3  }
0x36: {  	p1 =	seq.s32 s10, $0x1;
	s10 =	sld [smem:$0x3FAE];
	_ =	sdelay $0x3  }
0x37: {  	[smem:$0x3FAE] =	sst s10  }
0x38: {  	s10 =	sld [smem:$0x3FAF]  }
0x39: {  	_ = 	snop;
	(pc) =	sbr.ind lr, $3  }
0x3a: {  	_ = 	snop  }
0x3b: {  	_ = 	snop  }
0x3c: {  	p2 =	seq.s32 s10, $0x1;
	s10 =	sld [smem:$0x3FAE]  }
0x3d: {  	_ =	shalt  }
0x3e: {  	_ =	shalt  }
0x3f: {  	_ =	shalt  }
0x40: {  	_ =	shalt  }
0x41: {  	_ =	shalt  }
0x42: {  	_ =	shalt  }
0x43: {  	_ =	shalt  }
0x44: {  	_ =	shalt  }
0x45: {  	_ =	shalt  }
0x46: {  	_ =	shalt  }
0x47: {  	_ =	shalt  }
0x48: {  	_ =	shalt  }
0x49: {  	_ =	shalt  }
0x4a: {  	_ =	shalt  }
0x4b: {  	_ =	shalt  }
0x4c: {  	_ =	shalt  }
0x4d: {  	_ =	shalt  }
0x4e: {  	_ =	shalt  }
0x4f: {  	_ =	shalt  }
0x50: {  	_ =	shalt  }
0x51: {  	_ =	shalt  }
0x52: {  	_ =	shalt  }
0x53: {  	_ =	shalt  }
0x54: {  	_ =	shalt  }
0x55: {  	_ =	shalt  }
0x56: {  	_ =	shalt  }
0x57: {  	_ =	shalt  }
0x58: {  	_ =	shalt  }
0x59: {  	_ =	shalt  }
0x5a: {  	_ =	shalt  }
0x5b: {  	_ =	shalt  }
0x5c: {  	_ =	shalt  }
0x5d: {  	_ =	shalt  }
0x5e: {  	_ =	shalt  }
0x5f: {  	_ =	shalt  }
0x60: {  	_ =	shalt  }
0x61: {  	_ =	shalt  }
0x62: {  	_ =	shalt  }
0x63: {  	_ =	shalt  }
0x64: {  	_ =	shalt  }
0x65: {  	_ =	shalt  }
0x66: {  	_ =	shalt  }
0x67: {  	_ =	shalt  }
0x68: {  	_ =	shalt  }
0x69: {  	_ =	shalt  }
0x6a: {  	_ =	shalt  }
0x6b: {  	_ =	shalt  }
0x6c: {  	_ =	shalt  }
0x6d: {  	_ =	shalt  }
0x6e: {  	_ =	shalt  }
0x6f: {  	_ =	shalt  }
0x70: {  	_ =	shalt  }
0x71: {  	_ =	shalt  }
0x72: {  	_ =	shalt  }
0x73: {  	_ =	shalt  }
0x74: {  	_ =	shalt  }
0x75: {  	_ =	shalt  }
0x76: {  	_ =	shalt  }
0x77: {  	_ =	shalt  }
0x78: {  	_ =	shalt  }
0x79: {  	_ =	shalt  }
0x7a: {  	_ =	shalt  }
0x7b: {  	_ =	shalt  }
0x7c: {  	_ =	shalt  }
0x7d: {  	_ =	shalt  }
0x7e: {  	_ =	shalt  }
0x7f: {  	_ =	shalt  }
0x80: {  	_ =	shalt  }
0x81: {  	_ =	shalt  }
0x82: {  	_ =	shalt  }
0x83: {  	_ =	shalt  }
0x84: {  	_ =	shalt  }
0x85: {  	_ =	shalt  }
0x86: {  	_ =	shalt  }
0x87: {  	_ =	shalt  }
.Lfunc_end0:
.L_simem_size_0:
called_computation_lowered:
.L_overlay_start_0:
0x88: {  	s2 =	sld [smem:$0x3FD9]  }
0x89: {  	s3 =	sld [smem:$0x3FFE];
	_ =	sdelay $0x1  }
0x8a: {  	s1 =	srdreg.scid  }
0x8b: {  	s0 =	sand.u32 $0x1, s1  }
0x8c: {  	s17 =	sshll.u32 s0, $0xA;
	s2 =	sadd.s32 s3, s2  }
0x8d: {  	s2 =	sadd.s32 s2, s17  }
0x8e: {  	[smem:$0x3FBA] =	sst s2  }
0x8f: {  	_ = 	snop  }
0x90: {  	s2 =	sld [smem:$0x3FD0];
	(tm) =	ssettm $0x1  }
0x91: {  	s18 =	sld [smem:$0x3FFB];
	_ =	sdelay $0x3  }
0x92: {  	_ =	strace s18  }
0x93: {  	s3 =	sld [smem:$0x3FFC];
	_ =	sdelay $0x3  }
0x94: {  	_ =	strace s3  }
0x95: {  	s3 =	sld [smem:$0x3FFD];
	_ =	sdelay $0x3  }
0x96: {  	_ =	strace s3  }
0x97: {  	_ =	strace $0x8FFFFFFF  }
0x98: {  	s19 =	sld [smem:$0x3FDB];
	_ =	sdelay $0x1  }
0x99: {  	s4 =	simm.s32 $_scs_section_size  }
0x9a: {  	s5 =	simm.s32 $_size__tile_overlayer_lowered;
	s6 =	simm.s32 $_tile_overlayer_lowered  }
0x9b: {  	s22 =	simm.s32 $0x1BFF;
	s21 =	sshll.u32 s6, $0x1;
	s3 =	sadd.s32 s4, s19  }
0x9c: {  	s7 =	simm.s32 $0x0;
	s20 =	sshll.u32 s5, $0x1;
	s5 =	sadd.s32 s21, s3  }
0x9d: {  	[timem:s7], [sflag:s22] =	dma.local [hbm:s5], s20  }
0x9e: {  	_ =	swait.ge [sflag:s22], s20  }
0x9f: {  	s4 =	ssub.s32 $0x0, s20;
	[sflag:s22] =	ssyncset.done $0x0  }
0xa0: {  	[sflag:s22] =	ssyncadd.s32 s4;
	_ =	sdelay $0x1  }
0xa1: {  	s23 =	simm.s32 $0x1B8B  }
0xa2: {  	_ =	swait.ge [sflag:s23], $0x1  }
0xa3: {  	[sflag:s23] =	ssyncset.done $0x0  }
0xa4: {  	s25 =	simm.s32 $0x1B8E;
	s24 =	sld [smem:$0x3FFE];
	[sflag:s23] =	ssyncadd.s32 $0xFFFFFFFF  }
0xa5: {  	s26 =	simm.s32 $execute0_lowered;
	[smem:$0x3FD2] =	sst s25  }
0xa6: {  	s5 =	sshll.u32 s26, $0x1;
	_ =	strace $0x80000046;
	[dreg:$0x1] =	wrdreg $0xFFFFFFFF  }
0xa7: {  	s28 =	simm.s32 $_size_execute0_lowered;
	s3 =	sadd.s32 s3, s5;
	[dreg:$0x0] =	wrdreg $0x0  }
0xa8: {  	s5 =	sshll.u32 s28, $0x1;
	[dreg:$0x2] =	wrdreg s3  }
0xa9: {  	[dreg:$0x3] =	wrdreg s5  }
0xaa: {  	[dreg:$0x4] =	wrdreg $0xC0  }
0xab: {  	_ =	task [dreg:s7], $0x5FFFF  }
0xac: {  	[dreg:$0x1] =	wrdreg $0xFFFFFFFF  }
0xad: {  	[dreg:$0x0] =	wrdreg $0x60  }
0xae: {  	[dreg:$0x2] =	wrdreg s24  }
0xaf: {  	[dreg:$0x3] =	wrdreg s2  }
0xb0: {  	[dreg:$0x4] =	wrdreg $0xE3700  }
0xb1: {  	[dreg:$0x5] =	wrdreg $0x17FD00  }
0xb2: {  	[dreg:$0x6] =	wrdreg $0x9  }
0xb3: {  	_ =	task.clear_ibuf [dreg:s7], $0x7FFFF;
	_ =	strace $0x90000046  }
0xb4: {  	s29 =	simm.s32 $0x9;
	_ =	strace $0x80000048  }
0xb5: {  	_ =	swait.ge [sflag:s29], $0x1  }
0xb6: {  	[sflag:s29] =	ssyncadd.s32 $0xFFFFFFFF  }
0xb7: {  	_ =	strace $0x90000048  }
0xb8: {  	_ =	sfence  }
0xb9: {  	s30 =	sld [smem:$0x0];
	_ =	sdelay $0x2  }
0xba: {  	s31 =	sshll.u32 s1, $0xD;
	s1 =	sshrl.u32 s1, $0x2  }
0xbb: {  	s3 =	sand.u32 $0x4000, s31;
	s1 =	sadd.s32 s1, s30  }
0xbc: {  	s0 =	sor.u32 s3, s0;
	s1 =	sshll.u32 s1, $0x11  }
0xbd: {  	s0 =	sor.u32 s1, s0  }
0xbe: {  	s0 =	sadd.s32 $0x8F2B, s0  }
0xbf: {  	[sflag:s0] =	ssyncadd.remote.s32 $0x1  }
0xc0: {  	_ =	sfence.sel $0xFFFF  }
0xc1: {  	[dreg:$0x0] =	wrdreg $0xFFFFFFFF;
	(pc) =	sbr.abs _section_cstart, $3  }
0xc2: {  	[dreg:$0x1] =	wrdreg $0xFFFFFFFF  }
0xc3: {  	_ =	task.clear_ibuf [dreg:s7], $0x2FFFF;
	_ =	strace $0x9FFFFFFF  }
0xc4: {  	(tm) =	ssettm $0x7FFFFFFF  }
0xc5: {  	_ =	shalt  }
tec
execute0_lowered:
.L_overlay_start_1:
0x0: {  	(tag) =	ssettag $0x1  }
0x1: {  	s0 =	rddreg [dreg:$0x0]  }
0x2: {  	s1 =	rddreg [dreg:$0x1]  }
0x3: {  	s2 =	rddreg [dreg:$0x2]  }
0x4: {  	s4 =	rddreg [dreg:$0x3];
	s16 =	stileid.u32  }
0x5: {  	s3 =	simm.s32 $0x0;
	s5 =	srdreg.scid;
	s8 =	smul.u32 $0x280, s16  }
0x6: {  	s19 =	simm.s32 $0x4F;
	s28 =	simm.s32 $0x2720;
	s17 =	smul.u32 $0x4F00, s16  }
0x7: {  	s29 =	simm.s32 $0x1;
	s7 =	sand.u32 $0x1, s5;
	s26 =	smul.u32 $0xA000, s16  }
0x8: {  	s31 =	simm.s32 $0x5370;
	[smem:$0x7FF] =	sst s3;
	s6 =	smul.u32 $0x2710, s7  }
0x9: {  	s5 =	sadd.s32 $0x4F600, s0;
	p0 =	slt.u32 s16, $0x2;
	s10 =	smul.u32 $0x2800, s7  }
0xa: {  	_ =	strace $0x80000047;
	s11 =	sshll.u32 s7, $0x1;
	s12 =	smul.u32 $0x13880, s7  }
0xb: {  	s13 =	ssub.s32 $0x2, s7;
	s23 =	smul.u32 $0x4F000, s7;
	s7 =	sxor.u32 $0x1, s7  }
0xc: {  	s19 =	simm.s32 @!p0 $0x4E;
	s11 =	sadd.s32 s11, s0;
	[dreg:$0x5] =	wrdreg s17  }
0xd: {  	s21 =	sshrl.u32 s13, $0x1;
	s7 =	smul.u32 $0x4F000, s7;
	[dreg:$0x9] =	wrdreg s19  }
0xe: {  	s9 =	sshrl.u32 s6, $0x3;
	s10 =	sadd.s32 s8, s10;
	s14 =	sadd.s32 s12, s0  }
0xf: {  	s13 =	ssub.s32 s13, s21;
	s24 =	sadd.s32 $0x63200, s11;
	s11 =	sadd.s32 s17, s23  }
0x10: {  	s21 =	sadd.s32 s8, s4;
	s8 =	simm.s32 $0xA370;
	v0 =	vmov s6;
	s6 =	simm.s32 $0x0  }
0x11: {  	s9 =	sadd.s32 s9, s0;
	s10 =	sshrl.u32 s10, $0x3;
	[dreg:$0x8] =	wrdreg s24  }
0x12: {  	s25 =	sshrl.u32 s11, $0x3;
	s12 =	sadd.s32 s17, s7;
	s7 =	sshrl.u32 s26, $0x2  }
0x13: {  	[dreg:$0xf] =	wrdreg s21;
	s23 =	smax.u32 s13, $0x1;
	s13 =	simm.s32 $0x51D0  }
0x14: {  	s10 =	sadd.s32 s10, s0;
	s22 =	sadd.s32 $0x9E200, s9;
	[dreg:$0x11] =	wrdreg s23  }
0x15: {  	s9 =	sadd.s32 $0x9D800, s9;
	s15 =	sadd.s32 s5, s25;
	[dreg:$0x6] =	wrdreg s22  }
0x16: {  	s30 =	sshrl.u32 s12, $0x3;
	s0 =	sadd.s32 $0x4F610, s0;
	[dreg:$0x7] =	wrdreg s9  }
0x17: {  	s20 =	sadd.s32 s7, s4;
	s4 =	simm.s32 $0x80;
	[dreg:$0xa] =	wrdreg s15  }
0x18: {  	s7 =	simm.s32 $0x5150;
	s18 =	sadd.s32 s5, s30;
	[dreg:$0xe] =	wrdreg s20  }
0x19: {  	s9 =	sadd.s32 s25, s0;
	s0 =	sadd.s32 s30, s0;
	[dreg:$0xb] =	wrdreg s18  }
0x1a: {  	s22 =	sadd.s32 $0x8A600, s10;
	s20 =	sshll.u32 s16, $0x6;
	[dreg:$0xc] =	wrdreg s9  }
0x1b: {  	s25 =	sshll.u32 s16, $0x9;
	s30 =	sor.u32 $0x80, s17;
	[dreg:$0xd] =	wrdreg s0  }
0x1c: {  	s15 =	simm.s32 $0x3;
	s16 =	simm.s32 $0x4;
	[dreg:$0x10] =	wrdreg s22  }
0x1d: {  	s24 =	sadd.s32 s20, s14;
	s22 =	sadd.s32 s25, s2;
	[dreg:$0x15] =	wrdreg s30  }
0x1e: {  	s9 =	simm.s32 $0x2;
	s26 =	sadd.s32 $0x63400, s24;
	[dreg:$0x13] =	wrdreg s22  }
0x1f: {  	s14 =	simm.s32 $0xC370;
	s0 =	sadd.s32 $0x9EC00, s24;
	[dreg:$0x12] =	wrdreg s26  }
0x20: {  	v1 =	vimm.f32 $0.0e+00;
	s18 =	simm.s32 $0x6;
	[dreg:$0x14] =	wrdreg s0;
	s26 =	simm.s32 $0x7  }
.LBB2_1:
0x21: {  	[dreg:$0x16] =	wrdreg s6  }
0x22: {  	s0 =	rddreg [dreg:$0x6]  }
0x23: {  	[tilespmem:s3], [sflag:$0x7] =	stream.linear.gather [hbm4b:s0+s3], $0x2710, $0x38;
	[tilespmem:$0x1A7D0] =	vst v63  }
0x24: {  	_ =	swait.ge [sflag:s26], $0x2710  }
0x25: {  	[sflag:s26] =	ssyncset.done $0x0  }
0x26: {  	s24 =	rddreg [dreg:$0x7];
	[sflag:s26] =	ssyncadd.s32 $0xFFFFD8F0  }
0x27: {  	[tilespmem:s28], [sflag:$0x7] =	stream.linear.gather [hbm4b:s24+s3], $0x2710, $0x38;
	[tilespmem:$0x1A7D0] =	vst v63  }
0x28: {  	_ =	swait.ge [sflag:s26], $0x2710  }
0x29: {  	[sflag:s26] =	ssyncset.done $0x0  }
0x2a: {  	s30 =	simm.s32 $0x4E40;
	s25 =	rddreg [dreg:$0x8];
	[sflag:s26] =	ssyncadd.s32 $0xFFFFD8F0  }
0x2b: {  	[tilespmem:s30], [sflag:$0x7] =	stream.linear.gather [hbm4b:s25+s3], $0x10, $0x38;
	[tilespmem:$0x1A7D0] =	vst v63  }
0x2c: {  	_ =	swait.ge [sflag:s26], $0x10  }
0x2d: {  	[sflag:s26] =	ssyncset.done $0x0  }
0x2e: {  	[sflag:s26] =	ssyncadd.s32 $0xFFFFFFF0  }
0x2f: {  	[tilespmem:$0x2710] =	vst v1  }
0x30: {  	s6 =	simm.s32 $0x0;
	s0 =	simm.s32 $0x40;
	[tilespmem:$0x4E30] =	vst v1  }
.LBB2_2:
0x31: {  	p0 =	sne.s32 s0, $0x9FC0;
	[tilespmem:s6+$0x5370] =	vst v1;
	s6 =	smov.u32 s0;
	s0 =	sadd.s32 $0x40, s0  }
.Ltmp0:
0x32: {  	(pc) =	sbr.rel @p0 .LBB2_2-.Ltmp0, $2  }
0x33: {  	_ =	sdelay $0x2  }
0x34: {  	s6 =	sshra.s32 s6, $0x2  }
0x35: {  	p0 =	sne.s32 s19, $0x1  }
.Ltmp1:
0x36: {  	s0 =	sshrl.u32 s22, $0x3;
	s30 =	rddreg [dreg:$0x12];
	(pc) =	sbr.rel @!p0 .LBB2_5-.Ltmp1, $4  }
0x37: {  	[tilespmem:s6+$0x5370] =	vst v1;
	s21 =	sor.u32 $0x1C07, s20;
	[dreg:$0x17] =	wrdreg s0  }
0x38: {  	[spmem:s0], [sflag:s21] =	dma.local [hbm:s30], $0x40  }
0x39: {  	s10 =	sadd.s32 $0x2000, s22;
	_ =	swait.ge [sflag:s26], $0x40  }
0x3a: {  	s6 =	sadd.s32 $0x400, s30;
	s0 =	sadd.s32 $0xFFFFFFFF, s19;
	[sflag:s26] =	ssyncset.done $0x0  }
.LBB2_4:
0x3b: {  	s21 =	sor.u32 $0x1C07, s20  }
0x3c: {  	s17 =	sshrl.u32 s10, $0x3;
	[sflag:s26] =	ssyncadd.s32 $0xFFFFFFC0;
	p1 =	sne.s32 s0, $0x1  }
0x3d: {  	[spmem:s17], [sflag:s21] =	dma.local [hbm:s6], $0x40  }
.Ltmp2:
0x3e: {  	_ = 	snop;
	(pc) =	sbr.rel @p1 .LBB2_4-.Ltmp2, $4  }
0x3f: {  	_ = 	snop  }
0x40: {  	s0 =	sadd.s32 $0xFFFFFFFF, s0  }
0x41: {  	_ =	swait.ge [sflag:s26], $0x40  }
0x42: {  	s10 =	sadd.s32 $0x2000, s10;
	s6 =	sadd.s32 $0x400, s6;
	[sflag:s26] =	ssyncset.done $0x0  }
.LBB2_5:
0x43: {  	[sflag:s26] =	ssyncadd.s32 $0xFFFFFFC0  }
0x44: {  	[bflag:$0x0] =	sbarrier.arrive $0xFFFF  }
0x45: {  	s0 =	rddreg [dreg:$0xa]  }
0x46: {  	s19 =	rddreg [dreg:$0xb]  }
0x47: {  	s6 =	simm.s32 $0x0;
	s10 =	simm.s32 $0x4E50;
	s23 =	rddreg [dreg:$0xc]  }
0x48: {  	v2 =	vld [tilespmem:$0x4E40];
	[tilespmem:s10], [sflag:$0x1] =	stream.linear.gather [hbm4b:s0+s6], $0x80, $0x38  }
0x49: {  	s22 =	simm.s32 $0x4F50;
	s25 =	rddreg [dreg:$0xd]  }
0x4a: {  	[tilespmem:s22], [sflag:$0x1] =	stream.linear.gather [hbm4b:s19+s6], $0x80, $0x38;
	[tilespmem:$0x1A7D0] =	vst v63  }
0x4b: {  	s24 =	simm.s32 $0x4ED0;
	s17 =	rddreg [dreg:$0x15]  }
0x4c: {  	[tilespmem:s24], [sflag:$0x2] =	stream.linear.gather [hbm4b:s23+s6], $0x80, $0x38;
	[tilespmem:$0x1A7D0] =	vst v63  }
0x4d: {  	s30 =	simm.s32 $0x4FD0;
	p1 =	por $0x0, $0x0;
	s0 =	rddreg [dreg:$0x5]  }
0x4e: {  	[tilespmem:s30], [sflag:$0x2] =	stream.linear.gather [hbm4b:s25+s6], $0x80, $0x38;
	[tilespmem:$0x1A7D0] =	vst v63  }
.LBB2_6:
0x4f: {  	s10 =	simm.s32 $0x1  }
0x50: {  	s10 =	simm.s32 @!p1 $0x0  }
0x51: {  	_ =	swait.ge [sflag:s29], $0x80;
	s10 =	sshll.u32 s10, $0x8  }
0x52: {  	[sflag:s29] =	ssyncset.done $0x0;
	s19 =	sadd.s32 $0x4F50, s10  }
0x53: {  	[sflag:s29] =	ssyncadd.s32 $0xFFFFFF80;
	v3 =	vmov s19  }
0x54: {  	_ =	swait.ge [sflag:s29], $0x80  }
0x55: {  	[sflag:s29] =	ssyncset.done $0x0  }
0x56: {  	s19 =	simm.s32 $0x0;
	[sflag:s29] =	ssyncadd.s32 $0xFFFFFF80  }
0x57: {  	v5 =	vld [tilespmem:s19+$0x4E50]  }
0x58: {  	v4 =	vld.idx.msk [tilespmem:v3+s19+$0x0 ss:$0x1], $0xffff;
	_ =	sdelay $0x6  }
0x59: {  	v6 =	vld.idx.msk [tilespmem:v5+s3+$0x0], $0xffff  }
0x5a: {  	v7 =	vld.idx.msk [tilespmem:v4+s28+$0x0], $0xffff;
	_ =	sdelay $0x4  }
0x5b: {  	v6 =	vadd.f32 v7, v6;
	_ =	sdelay $0x1  }
0x5c: {  	v7 =	vmul.f32 $2.000000030e-01, v6  }
0x5d: {  	vm0 =	vge.f32 v6, $0.0e+00  }
0x5e: {  	v6 =	vsel vm0, v6, v7  }
0x5f: {  	v6 =	vsub.f32 v6, v2;
	_ =	sdelay $0x1  }
0x60: {  	v6 =	vmul.f32 $1.442695020e+00, v6;
	_ =	sdelay $0x1  }
0x61: {  	(erf) = vpow2.f32 v6;
	_ =	sdelay $0x7  }
0x62: {  	s22 =	sand.u32 $0x1, s6;
	p2 =	slt.u32 s0, $0x4E200  }
0x63: {  	s25 =	sshll.u32 s6, $0x8;
	s30 =	simm.s32 $0x40;
	s23 =	sshll.u32 s22, $0x8;
	v5 =	vadd.s32 v0, v5;
	v6 =	vpop (erf)  }
0x64: {  	s22 =	smov.u32 s0;
	s24 =	sadd.s32 $0x4F50, s23;
	s10 =	sadd.s32 $0x4FD0, s10;
	[tilespmem:s19+$0x5150] =	vst v5;
	v5 =	vpsel !p2, $0x0, v6  }
.LBB2_7:
0x65: {  	p2 =	sne.s32 s30, $0x1C0  }
0x66: {  	[tilespmem:s19+$0x5250] =	vst v5;
	s22 =	sadd.s32 $0x10, s22;
	s19 =	smov.u32 s30;
	s30 =	sadd.s32 $0x40, s30  }
0x67: {  	s19 =	sshra.s32 s19, $0x2;
	[tilespmem:v4+s31+$0x0] =	vst.idx.add.f32.msk $0xffff, v5  }
0x68: {  	v5 =	vld [tilespmem:s19+$0x4E50]  }
0x69: {  	v4 =	vld.idx.msk [tilespmem:v3+s19+$0x0 ss:$0x1], $0xffff;
	_ =	sdelay $0x6  }
0x6a: {  	v6 =	vld.idx.msk [tilespmem:v5+s3+$0x0], $0xffff  }
0x6b: {  	v5 =	vadd.s32 v0, v5;
	v7 =	vld.idx.msk [tilespmem:v4+s28+$0x0], $0xffff  }
0x6c: {  	[tilespmem:s19+$0x5150] =	vst v5;
	_ =	sdelay $0x4  }
0x6d: {  	v5 =	vadd.f32 v7, v6;
	_ =	sdelay $0x1  }
0x6e: {  	vm0 =	vge.f32 v5, $0.0e+00;
	v6 =	vmul.f32 $2.000000030e-01, v5;
	_ =	sdelay $0x1  }
0x6f: {  	v5 =	vsel vm0, v5, v6  }
0x70: {  	v5 =	vsub.f32 v5, v2;
	_ =	sdelay $0x1  }
0x71: {  	v5 =	vmul.f32 $1.442695020e+00, v5;
	_ =	sdelay $0x1  }
0x72: {  	(erf) = vpow2.f32 v5;
	_ =	sdelay $0x5  }
.Ltmp3:
0x73: {  	(pc) =	sbr.rel @p2 .LBB2_7-.Ltmp3, $4  }
0x74: {  	_ = 	snop  }
0x75: {  	p3 =	slt.u32 s22, $0x4E200  }
0x76: {  	v5 =	vpop (erf)  }
0x77: {  	v5 =	vpsel !p3, $0x0, v5  }
0x78: {  	_ =	sdelay $0x2  }
0x79: {  	[tilespmem:s19+$0x5250] =	vst v5;
	p2 =	seq.s32 s6, $0x0  }
0x7a: {  	[tilespmem:v4+s31+$0x0] =	vst.idx.add.f32.msk $0xffff, v5;
	s19 =	simm.s32 @!p2 $0x5  }
0x7b: {  	_ =	swait.ge @!p2 [sflag:s19], $0x2000  }
0x7c: {  	[sflag:s19] =	ssyncset.done @!p2 $0x0  }
0x7d: {  	[sflag:s19] =	ssyncadd.s32 @!p2 $0xFFFFE000  }
0x7e: {  	[tilespmem:s8], [sflag:$0x3] =	stream.indirect.gather [hbm4b:s1+s4], $0x40, s7, s4, $0xb8;
	[tilespmem:$0x1A7D0] =	vst v63  }
0x7f: {  	_ =	swait.ge [sflag:s9], $0x80  }
0x80: {  	[sflag:s9] =	ssyncset.done $0x0  }
0x81: {  	v3 =	vmov s10;
	[sflag:s9] =	ssyncadd.s32 $0xFFFFFF80  }
0x82: {  	_ =	swait.ge [sflag:s9], $0x80  }
0x83: {  	[sflag:s9] =	ssyncset.done $0x0  }
0x84: {  	s19 =	simm.s32 $0x0;
	[sflag:s9] =	ssyncadd.s32 $0xFFFFFF80  }
0x85: {  	v5 =	vld [tilespmem:s19+$0x4ED0]  }
0x86: {  	v4 =	vld.idx.msk [tilespmem:v3+s19+$0x0 ss:$0x1], $0xffff;
	_ =	sdelay $0x6  }
0x87: {  	v6 =	vld.idx.msk [tilespmem:v5+s3+$0x0], $0xffff  }
0x88: {  	v7 =	vld.idx.msk [tilespmem:v4+s28+$0x0], $0xffff;
	_ =	sdelay $0x4  }
0x89: {  	v6 =	vadd.f32 v7, v6;
	_ =	sdelay $0x1  }
0x8a: {  	v7 =	vmul.f32 $2.000000030e-01, v6  }
0x8b: {  	vm0 =	vge.f32 v6, $0.0e+00  }
0x8c: {  	v6 =	vsel vm0, v6, v7  }
0x8d: {  	v6 =	vsub.f32 v6, v2;
	_ =	sdelay $0x1  }
0x8e: {  	v6 =	vmul.f32 $1.442695020e+00, v6;
	_ =	sdelay $0x1  }
0x8f: {  	(erf) = vpow2.f32 v6;
	_ =	sdelay $0x8  }
0x90: {  	p6 =	slt.u32 s17, $0x4E200;
	v5 =	vadd.s32 v0, v5;
	v6 =	vpop (erf)  }
0x91: {  	s10 =	sadd.s32 $0x4FD0, s23;
	s30 =	simm.s32 $0x40;
	s22 =	smov.u32 s17;
	[tilespmem:s19+$0x51D0] =	vst v5;
	v5 =	vpsel !p6, $0x0, v6  }
.LBB2_9:
0x92: {  	p2 =	sne.s32 s30, $0x1C0  }
0x93: {  	[tilespmem:s19+$0x52E0] =	vst v5;
	s22 =	sadd.s32 $0x10, s22;
	s19 =	smov.u32 s30;
	s30 =	sadd.s32 $0x40, s30  }
0x94: {  	s19 =	sshra.s32 s19, $0x2;
	[tilespmem:v4+s31+$0x0] =	vst.idx.add.f32.msk $0xffff, v5  }
0x95: {  	v5 =	vld [tilespmem:s19+$0x4ED0]  }
0x96: {  	v4 =	vld.idx.msk [tilespmem:v3+s19+$0x0 ss:$0x1], $0xffff;
	_ =	sdelay $0x6  }
0x97: {  	v6 =	vld.idx.msk [tilespmem:v5+s3+$0x0], $0xffff  }
0x98: {  	v5 =	vadd.s32 v0, v5;
	v7 =	vld.idx.msk [tilespmem:v4+s28+$0x0], $0xffff  }
0x99: {  	[tilespmem:s19+$0x51D0] =	vst v5;
	_ =	sdelay $0x4  }
0x9a: {  	v5 =	vadd.f32 v7, v6;
	_ =	sdelay $0x1  }
0x9b: {  	vm0 =	vge.f32 v5, $0.0e+00;
	v6 =	vmul.f32 $2.000000030e-01, v5;
	_ =	sdelay $0x1  }
0x9c: {  	v5 =	vsel vm0, v5, v6  }
0x9d: {  	v5 =	vsub.f32 v5, v2;
	_ =	sdelay $0x1  }
0x9e: {  	v5 =	vmul.f32 $1.442695020e+00, v5;
	_ =	sdelay $0x1  }
0x9f: {  	(erf) = vpow2.f32 v5;
	_ =	sdelay $0x5  }
.Ltmp4:
0xa0: {  	(pc) =	sbr.rel @p2 .LBB2_9-.Ltmp4, $4  }
0xa1: {  	_ = 	snop  }
0xa2: {  	p3 =	slt.u32 s22, $0x4E200  }
0xa3: {  	v5 =	vpop (erf)  }
0xa4: {  	v5 =	vpsel !p3, $0x0, v5  }
0xa5: {  	p2 =	sne.s32 s6, $0x0  }
.Ltmp5:
0xa6: {  	_ = 	snop;
	(pc) =	sbr.rel @!p2 .LBB2_11-.Ltmp5, $3  }
0xa7: {  	_ =	sdelay $0x1  }
0xa8: {  	[tilespmem:s19+$0x52E0] =	vst v5  }
0xa9: {  	[tilespmem:v4+s31+$0x0] =	vst.idx.add.f32.msk $0xffff, v5  }
0xaa: {  	p2 =	seq.s32 s6, $0x4E  }
.Ltmp6:
0xab: {  	_ = 	snop;
	(pc) =	sbr.rel @p2 .LBB2_14-.Ltmp6, $4  }
.Ltmp7:
0xac: {  	_ =	swait.ge [sflag:s18], $0x2000;
	(pc) =	sbr.rel @!p2 .LBB2_13-.Ltmp7, $4  }
0xad: {  	[sflag:s18] =	ssyncset.done $0x0  }
0xae: {  	[sflag:s18] =	ssyncadd.s32 $0xFFFFE000  }
0xaf: {  	[tilespmem:s14], [sflag:$0x4] =	stream.indirect.gather [hbm4b:s1+s4], $0x40, s13, s4, $0xb8;
	[tilespmem:$0x1A7D0] =	vst v63  }
0xb0: {  	_ = 	snop  }
.LBB2_11:
0xb1: {  	[tilespmem:s14], [sflag:$0x4] =	stream.indirect.gather [hbm4b:s1+s4], $0x40, s13, s4, $0xb8;
	[tilespmem:$0x1A7D0] =	vst v63  }
.LBB2_13:
0xb2: {  	s19 =	sadd.s32 $0x100, s25  }
0xb3: {  	s22 =	sadd.s32 s11, s19  }
0xb4: {  	s22 =	sshrl.u32 s22, $0x3  }
0xb5: {  	s30 =	simm.s32 $0x4E50;
	s19 =	sadd.s32 s12, s19;
	s22 =	sadd.s32 s5, s22  }
0xb6: {  	[tilespmem:s30], [sflag:$0x1] =	stream.linear.gather [hbm4b:s22+s3], $0x80, $0x38;
	[tilespmem:$0x1A7D0] =	vst v63  }
0xb7: {  	s19 =	sshrl.u32 s19, $0x3;
	s30 =	sxor.u32 $0x100, s23  }
0xb8: {  	s19 =	sadd.s32 s5, s19;
	s22 =	sadd.s32 $0x4F50, s30  }
0xb9: {  	[tilespmem:s22], [sflag:$0x1] =	stream.linear.gather [hbm4b:s19+s3], $0x80, $0x38;
	[tilespmem:$0x1A7D0] =	vst v63  }
0xba: {  	s19 =	sadd.s32 $0x180, s25  }
0xbb: {  	s25 =	sadd.s32 s11, s19  }
0xbc: {  	s22 =	sshrl.u32 s25, $0x3  }
0xbd: {  	s30 =	simm.s32 $0x4ED0;
	s19 =	sadd.s32 s12, s19;
	s22 =	sadd.s32 s5, s22  }
0xbe: {  	[tilespmem:s30], [sflag:$0x2] =	stream.linear.gather [hbm4b:s22+s3], $0x80, $0x38;
	[tilespmem:$0x1A7D0] =	vst v63  }
0xbf: {  	s19 =	sshrl.u32 s19, $0x3;
	s30 =	sxor.u32 $0x180, s23  }
0xc0: {  	s19 =	sadd.s32 s5, s19;
	s22 =	sadd.s32 $0x4F50, s30  }
0xc1: {  	[tilespmem:s22], [sflag:$0x2] =	stream.linear.gather [hbm4b:s19+s3], $0x80, $0x38;
	[tilespmem:$0x1A7D0] =	vst v63  }
.LBB2_14:
0xc2: {  	_ =	swait.ge [sflag:s15], $0x2000  }
0xc3: {  	[sflag:s15] =	ssyncset.done $0x0  }
0xc4: {  	s23 =	simm.s32 $0xA3B0;
	[sflag:s15] =	ssyncadd.s32 $0xFFFFE000  }
0xc5: {  	s19 =	simm.s32 $0x0;
	v8 =	vld [tilespmem:s23+$0x30]  }
0xc6: {  	v5 =	vld [tilespmem:s19+$0x5250]  }
0xc7: {  	v11 =	vld [tilespmem:s23+$0x10]  }
0xc8: {  	v9 =	vld [tilespmem:s23+$0xFFFFFFC0]  }
0xc9: {  	v13 =	vld [tilespmem:s23+$0xFFFFFFE0]  }
0xca: {  	v3 =	vld [tilespmem:s23+$0xFFFFFFF0]  }
0xcb: {  	v6 =	vld [tilespmem:s23+$0x20];
	v4 =	vbroadcast v5, $0x0;
	v5 =	vbroadcast v5, $0x1  }
0xcc: {  	v7 =	vld [tilespmem:s23+$0xFFFFFFD0]  }
0xcd: {  	v12 =	vmul.f32 v8, v5;
	v8 =	vld [tilespmem:s23+$0x0]  }
0xce: {  	v10 =	vmul.f32 v4, v9  }
0xcf: {  	s22 =	simm.s32 $0xA3B0;
	s19 =	simm.s32 $0x8;
	v9 =	vmul.f32 v13, v4;
	v11 =	vmul.f32 v11, v5  }
.LBB2_15:
0xd0: {  	p2 =	sne.s32 s19, $0x1F8  }
0xd1: {  	v7 =	vmul.f32 v7, v4;
	v6 =	vmul.f32 v6, v5;
	[tilespmem:s23+$0x30] =	vst v12;
	s22 =	sadd.s32 $0x80, s22;
	s25 =	smov.u32 s19;
	s19 =	sadd.s32 $0x8, s19  }
0xd2: {  	v3 =	vmul.f32 v3, v4;
	[tilespmem:s23+$0xFFFFFFC0] =	vst v10;
	v4 =	vmul.f32 v8, v5  }
0xd3: {  	[tilespmem:s23+$0x10] =	vst v11  }
0xd4: {  	[tilespmem:s23+$0xFFFFFFE0] =	vst v9  }
0xd5: {  	[tilespmem:s23+$0xFFFFFFF0] =	vst v3  }
0xd6: {  	v3 =	vld [tilespmem:s22+$0xFFFFFFF0];
	[tilespmem:s23+$0x0] =	vst v4  }
0xd7: {  	v9 =	vld [tilespmem:s22+$0x30];
	[tilespmem:s23+$0x20] =	vst v6  }
0xd8: {  	s25 =	sshra.s32 s25, $0x2;
	v11 =	vld [tilespmem:s22+$0x10];
	[tilespmem:s23+$0xFFFFFFD0] =	vst v7;
	s23 =	smov.u32 s22  }
0xd9: {  	v5 =	vld [tilespmem:s25+$0x5250]  }
0xda: {  	v10 =	vld [tilespmem:s22+$0xFFFFFFC0]  }
0xdb: {  	v13 =	vld [tilespmem:s22+$0xFFFFFFE0]  }
0xdc: {  	v6 =	vld [tilespmem:s22+$0x20]  }
.Ltmp8:
0xdd: {  	v7 =	vld [tilespmem:s22+$0xFFFFFFD0];
	(pc) =	sbr.rel @p2 .LBB2_15-.Ltmp8, $3  }
0xde: {  	v4 =	vbroadcast v5, $0x0;
	v8 =	vld [tilespmem:s22+$0x0];
	v5 =	vbroadcast v5, $0x1;
	_ =	sdelay $0x1  }
0xdf: {  	v10 =	vmul.f32 v4, v10;
	v12 =	vmul.f32 v9, v5  }
0xe0: {  	v9 =	vmul.f32 v13, v4;
	v11 =	vmul.f32 v11, v5  }
0xe1: {  	[tilespmem:s23+$0x30] =	vst v12  }
0xe2: {  	[tilespmem:s23+$0xFFFFFFC0] =	vst v10  }
0xe3: {  	v3 =	vmul.f32 v3, v4;
	[tilespmem:s23+$0x10] =	vst v11  }
0xe4: {  	v8 =	vmul.f32 v8, v5;
	[tilespmem:s23+$0xFFFFFFE0] =	vst v9  }
0xe5: {  	v5 =	vmul.f32 v6, v5;
	[tilespmem:s23+$0xFFFFFFF0] =	vst v3  }
0xe6: {  	v3 =	vmul.f32 v7, v4;
	[tilespmem:s23+$0x0] =	vst v8  }
0xe7: {  	[tilespmem:s23+$0x20] =	vst v5  }
0xe8: {  	[tilespmem:s23+$0xFFFFFFD0] =	vst v3  }
0xe9: {  	[spmem:s2] =	stream.indirect.scatter.add.f32 [tilespmem:s8], [sflag:$0x5], $0x40, s24, s4, $0xb8;
	[tilespmem:$0x1A7D0] =	vst v63  }
0xea: {  	_ =	swait.ge [sflag:s16], $0x2000  }
0xeb: {  	[sflag:s16] =	ssyncset.done $0x0  }
0xec: {  	s19 =	simm.s32 $0x0;
	s23 =	simm.s32 $0xC3B0;
	[sflag:s16] =	ssyncadd.s32 $0xFFFFE000  }
0xed: {  	s19 =	sand.u32 $0x7E, s19;
	v8 =	vld [tilespmem:s23+$0x30]  }
0xee: {  	v5 =	vld [tilespmem:s19+$0x52E0]  }
0xef: {  	v11 =	vld [tilespmem:s23+$0x10]  }
0xf0: {  	v9 =	vld [tilespmem:s23+$0xFFFFFFC0]  }
0xf1: {  	v13 =	vld [tilespmem:s23+$0xFFFFFFE0]  }
0xf2: {  	v3 =	vld [tilespmem:s23+$0xFFFFFFF0]  }
0xf3: {  	v6 =	vld [tilespmem:s23+$0x20];
	v4 =	vbroadcast v5, $0x0;
	v5 =	vbroadcast v5, $0x1  }
0xf4: {  	v7 =	vld [tilespmem:s23+$0xFFFFFFD0]  }
0xf5: {  	v12 =	vmul.f32 v8, v5;
	v8 =	vld [tilespmem:s23+$0x0]  }
0xf6: {  	v10 =	vmul.f32 v4, v9  }
0xf7: {  	s22 =	simm.s32 $0xC3B0;
	s19 =	simm.s32 $0x2;
	v9 =	vmul.f32 v13, v4;
	v11 =	vmul.f32 v11, v5  }
.LBB2_17:
0xf8: {  	p2 =	sne.s32 s19, $0x7E  }
0xf9: {  	v7 =	vmul.f32 v7, v4;
	v6 =	vmul.f32 v6, v5;
	[tilespmem:s23+$0x30] =	vst v12;
	s22 =	sadd.s32 $0x80, s22;
	s24 =	smov.u32 s19;
	s19 =	sadd.s32 $0x2, s19  }
0xfa: {  	v3 =	vmul.f32 v3, v4;
	[tilespmem:s23+$0xFFFFFFC0] =	vst v10;
	v4 =	vmul.f32 v8, v5  }
0xfb: {  	[tilespmem:s23+$0x10] =	vst v11  }
0xfc: {  	[tilespmem:s23+$0xFFFFFFE0] =	vst v9  }
0xfd: {  	[tilespmem:s23+$0xFFFFFFF0] =	vst v3  }
0xfe: {  	v3 =	vld [tilespmem:s22+$0xFFFFFFF0];
	[tilespmem:s23+$0x0] =	vst v4  }
0xff: {  	v9 =	vld [tilespmem:s22+$0x30];
	[tilespmem:s23+$0x20] =	vst v6  }
0x100: {  	s24 =	sand.u32 $0x7E, s24;
	v11 =	vld [tilespmem:s22+$0x10];
	[tilespmem:s23+$0xFFFFFFD0] =	vst v7;
	s23 =	smov.u32 s22  }
0x101: {  	v5 =	vld [tilespmem:s24+$0x52E0]  }
0x102: {  	v10 =	vld [tilespmem:s22+$0xFFFFFFC0]  }
0x103: {  	v13 =	vld [tilespmem:s22+$0xFFFFFFE0]  }
0x104: {  	v6 =	vld [tilespmem:s22+$0x20]  }
.Ltmp9:
0x105: {  	v7 =	vld [tilespmem:s22+$0xFFFFFFD0];
	(pc) =	sbr.rel @p2 .LBB2_17-.Ltmp9, $3  }
0x106: {  	v4 =	vbroadcast v5, $0x0;
	v8 =	vld [tilespmem:s22+$0x0];
	v5 =	vbroadcast v5, $0x1;
	_ =	sdelay $0x1  }
0x107: {  	v10 =	vmul.f32 v4, v10;
	v12 =	vmul.f32 v9, v5  }
0x108: {  	v9 =	vmul.f32 v13, v4;
	v11 =	vmul.f32 v11, v5  }
0x109: {  	[tilespmem:s23+$0x30] =	vst v12  }
0x10a: {  	[tilespmem:s23+$0xFFFFFFC0] =	vst v10  }
0x10b: {  	v3 =	vmul.f32 v3, v4;
	s6 =	sadd.s32 $0x1, s6;
	[tilespmem:s23+$0x10] =	vst v11  }
0x10c: {  	v63 =	vmul.f32 v6, v5;
	[tilespmem:s23+$0xFFFFFFE0] =	vst v9;
	p2 =	sne.s32 s6, $0x4F  }
.Ltmp10:
0x10d: {  	v8 =	vmul.f32 v8, v5;
	[tilespmem:s23+$0xFFFFFFF0] =	vst v3;
	(pc) =	sbr.rel @p2 .LBB2_6-.Ltmp10, $4  }
0x10e: {  	v3 =	vmul.f32 v7, v4;
	[tilespmem:s23+$0x20] =	vst v63  }
0x10f: {  	[tilespmem:s23+$0x0] =	vst v8  }
0x110: {  	s0 =	sadd.s32 $0x100, s0;
	p1 =	por !p1, !p1;
	s17 =	sadd.s32 $0x100, s17;
	[tilespmem:s23+$0xFFFFFFD0] =	vst v3  }
0x111: {  	[spmem:s2] =	stream.indirect.scatter.add.f32 [tilespmem:s14], [sflag:$0x6], $0x40, s10, s4, $0xb8;
	[tilespmem:$0x1A7D0] =	vst v63  }
0x112: {  	s0 =	simm.s32 $0x5  }
0x113: {  	_ =	swait.ge [sflag:s0], $0x2000  }
0x114: {  	[sflag:s0] =	ssyncset.done $0x0  }
0x115: {  	[sflag:s0] =	ssyncadd.s32 $0xFFFFE000  }
0x116: {  	_ =	swait.ge [sflag:s18], $0x2000  }
0x117: {  	[sflag:s18] =	ssyncset.done $0x0  }
0x118: {  	[sflag:s18] =	ssyncadd.s32 $0xFFFFE000  }
0x119: {  	[bflag:$0x0] =	sbarrier.arrive $0xFFFF  }
0x11a: {  	s25 =	rddreg [dreg:$0xe]  }
0x11b: {  	[spmem:s25] =	stream.linear.scatter [tilespmem:s31], [sflag:$0x7], $0x2800, $0x38;
	[tilespmem:$0x1A7D0] =	vst v63  }
0x11c: {  	_ =	swait.ge [sflag:s26], $0x2800  }
0x11d: {  	[sflag:s26] =	ssyncset.done $0x0  }
0x11e: {  	[sflag:s26] =	ssyncadd.s32 $0xFFFFD800  }
0x11f: {  	s6 =	simm.s32 $0x280;
	[bflag:$0x0] =	sbarrier.arrive $0xFFFF  }
0x120: {  	s10 =	simm.s32 $0x2800;
	s17 =	simm.s32 $0x7B70;
	s30 =	rddreg [dreg:$0xf]  }
0x121: {  	[tilespmem:s17], [sflag:$0x7] =	stream.strided.gather [spmem:s30], $0x2800, s10, s6, $0x38;
	[tilespmem:$0x1A7D0] =	vst v63  }
0x122: {  	_ =	swait.ge [sflag:s26], $0x2800  }
0x123: {  	[sflag:s26] =	ssyncset.done $0x0  }
0x124: {  	s10 =	simm.s32 $0x0;
	[sflag:s26] =	ssyncadd.s32 $0xFFFFD800  }
0x125: {  	v2 =	vld [tilespmem:s10+$0x7B70]  }
0x126: {  	v3 =	vld [tilespmem:s10+$0x7DF0];
	_ =	sdelay $0x1  }
0x127: {  	v4 =	vld [tilespmem:s10+$0x8070];
	_ =	sdelay $0x1  }
0x128: {  	v5 =	vld [tilespmem:s10+$0x82F0]  }
0x129: {  	v2 =	vadd.f32 v3, v2  }
0x12a: {  	v3 =	vld [tilespmem:s10+$0x8570]  }
0x12b: {  	v2 =	vadd.f32 v4, v2  }
0x12c: {  	v4 =	vld [tilespmem:s10+$0x87F0]  }
0x12d: {  	v2 =	vadd.f32 v5, v2  }
0x12e: {  	v5 =	vld [tilespmem:s10+$0x8A70]  }
0x12f: {  	v2 =	vadd.f32 v3, v2  }
0x130: {  	v3 =	vld [tilespmem:s10+$0x8CF0]  }
0x131: {  	s6 =	simm.s32 $0x10;
	v6 =	vld [tilespmem:s10+$0x8F70];
	v2 =	vadd.f32 v4, v2  }
0x132: {  	v7 =	vld [tilespmem:s6+$0x7B70]  }
0x133: {  	v4 =	vld [tilespmem:s10+$0x91F0];
	v2 =	vadd.f32 v5, v2  }
0x134: {  	v5 =	vld [tilespmem:s6+$0x7DF0]  }
0x135: {  	v8 =	vld [tilespmem:s6+$0x8070];
	v2 =	vadd.f32 v3, v2  }
0x136: {  	v3 =	vld [tilespmem:s10+$0x9470]  }
0x137: {  	v9 =	vld [tilespmem:s6+$0x82F0];
	v2 =	vadd.f32 v6, v2  }
0x138: {  	v6 =	vld [tilespmem:s10+$0x96F0]  }
0x139: {  	v5 =	vadd.f32 v5, v7;
	v7 =	vld [tilespmem:s6+$0x8570];
	v2 =	vadd.f32 v4, v2  }
0x13a: {  	v4 =	vld [tilespmem:s10+$0x9970]  }
0x13b: {  	v5 =	vadd.f32 v8, v5;
	v8 =	vld [tilespmem:s6+$0x87F0];
	v2 =	vadd.f32 v3, v2  }
0x13c: {  	v3 =	vld [tilespmem:s10+$0x9BF0]  }
0x13d: {  	v10 =	vld [tilespmem:s6+$0x8A70];
	v5 =	vadd.f32 v9, v5;
	v2 =	vadd.f32 v6, v2  }
0x13e: {  	v9 =	vld [tilespmem:s10+$0x9E70]  }
0x13f: {  	v6 =	vadd.f32 v7, v5;
	v5 =	vld [tilespmem:s6+$0x8CF0];
	v7 =	vadd.f32 v4, v2  }
0x140: {  	v4 =	vld [tilespmem:s10+$0xA0F0]  }
0x141: {  	v2 =	vld [tilespmem:s6+$0x91F0];
	v8 =	vadd.f32 v8, v6;
	v11 =	vadd.f32 v3, v7  }
0x142: {  	s17 =	simm.s32 $0x20;
	v6 =	vld [tilespmem:s6+$0x8F70]  }
0x143: {  	s0 =	simm.s32 $0xC0;
	v3 =	vld [tilespmem:s17+$0x7B70];
	v7 =	vadd.f32 v10, v8;
	v8 =	vadd.f32 v9, v11  }
.LBB2_20:
0x144: {  	p1 =	sne.s32 s0, $0x9C0;
	v9 =	vld [tilespmem:s17+$0x7DF0]  }
0x145: {  	v5 =	vadd.f32 v5, v7;
	v7 =	vld [tilespmem:s6+$0x9470];
	v4 =	vadd.f32 v4, v8  }
0x146: {  	v8 =	vld [tilespmem:s17+$0x8070]  }
0x147: {  	v5 =	vadd.f32 v6, v5;
	v6 =	vld [tilespmem:s6+$0x96F0];
	[tilespmem:s10+$0x5370] =	vst v4;
	s10 =	smov.u32 s6;
	s6 =	smov.u32 s17  }
0x148: {  	v4 =	vld [tilespmem:s6+$0x82F0]  }
0x149: {  	v3 =	vadd.f32 v9, v3;
	v2 =	vadd.f32 v2, v5;
	v5 =	vld [tilespmem:s10+$0x9970]  }
0x14a: {  	v9 =	vld [tilespmem:s6+$0x8570]  }
0x14b: {  	v3 =	vadd.f32 v8, v3;
	v2 =	vadd.f32 v7, v2;
	v7 =	vld [tilespmem:s10+$0x9BF0]  }
0x14c: {  	v8 =	vld [tilespmem:s6+$0x87F0]  }
0x14d: {  	v3 =	vadd.f32 v4, v3;
	v2 =	vadd.f32 v6, v2;
	v10 =	vld [tilespmem:s10+$0x9E70]  }
0x14e: {  	v11 =	vld [tilespmem:s6+$0x8A70]  }
.Ltmp11:
0x14f: {  	v3 =	vadd.f32 v9, v3;
	v6 =	vadd.f32 v5, v2;
	v4 =	vld [tilespmem:s10+$0xA0F0];
	(pc) =	sbr.rel @p1 .LBB2_20-.Ltmp11, $4  }
0x150: {  	v5 =	vld [tilespmem:s6+$0x8CF0]  }
0x151: {  	v8 =	vadd.f32 v8, v3;
	v2 =	vld [tilespmem:s6+$0x91F0];
	v9 =	vadd.f32 v7, v6  }
0x152: {  	s17 =	sshra.s32 s0, $0x2;
	v6 =	vld [tilespmem:s6+$0x8F70]  }
0x153: {  	s0 =	sadd.s32 $0x40, s0;
	v3 =	vld [tilespmem:s17+$0x7B70];
	v7 =	vadd.f32 v11, v8;
	v8 =	vadd.f32 v10, v9  }
0x154: {  	v9 =	vld [tilespmem:s17+$0x7DF0]  }
0x155: {  	v10 =	vld [tilespmem:s6+$0x9470];
	v4 =	vadd.f32 v4, v8  }
0x156: {  	v49 =	vld [tilespmem:s17+$0x8070]  }
0x157: {  	v11 =	vld [tilespmem:s6+$0x96F0];
	v5 =	vadd.f32 v5, v7;
	[tilespmem:s10+$0x5370] =	vst v4  }
0x158: {  	v4 =	vld [tilespmem:s17+$0x82F0]  }
0x159: {  	v5 =	vadd.f32 v6, v5;
	v3 =	vadd.f32 v9, v3  }
0x15a: {  	v50 =	vld [tilespmem:s17+$0x8570]  }
0x15b: {  	v51 =	vld [tilespmem:s6+$0x9970];
	v2 =	vadd.f32 v2, v5;
	v3 =	vadd.f32 v49, v3  }
0x15c: {  	v52 =	vld [tilespmem:s17+$0x87F0]  }
0x15d: {  	v53 =	vld [tilespmem:s6+$0x9BF0];
	v2 =	vadd.f32 v10, v2;
	v3 =	vadd.f32 v4, v3  }
0x15e: {  	v54 =	vld [tilespmem:s17+$0x8A70]  }
0x15f: {  	v55 =	vld [tilespmem:s6+$0x9E70];
	v2 =	vadd.f32 v11, v2;
	v3 =	vadd.f32 v50, v3  }
0x160: {  	v56 =	vld [tilespmem:s17+$0x8CF0]  }
0x161: {  	v57 =	vld [tilespmem:s6+$0xA0F0];
	v2 =	vadd.f32 v51, v2;
	v3 =	vadd.f32 v52, v3  }
0x162: {  	v58 =	vld [tilespmem:s17+$0x8F70]  }
0x163: {  	v2 =	vadd.f32 v53, v2;
	v3 =	vadd.f32 v54, v3  }
0x164: {  	v59 =	vld [tilespmem:s17+$0x91F0]  }
0x165: {  	v2 =	vadd.f32 v55, v2;
	v3 =	vadd.f32 v56, v3  }
0x166: {  	v60 =	vld [tilespmem:s17+$0x9470]  }
0x167: {  	v2 =	vadd.f32 v57, v2;
	v3 =	vadd.f32 v58, v3  }
0x168: {  	v61 =	vld [tilespmem:s17+$0x96F0]  }
0x169: {  	[tilespmem:s6+$0x5370] =	vst v2;
	v2 =	vadd.f32 v59, v3  }
0x16a: {  	v3 =	vld [tilespmem:s17+$0x9970]  }
0x16b: {  	v2 =	vadd.f32 v60, v2  }
0x16c: {  	v62 =	vld [tilespmem:s17+$0x9BF0]  }
0x16d: {  	v2 =	vadd.f32 v61, v2  }
0x16e: {  	v63 =	vld [tilespmem:s17+$0x9E70]  }
0x16f: {  	v2 =	vadd.f32 v3, v2  }
0x170: {  	v3 =	vld [tilespmem:s17+$0xA0F0]  }
0x171: {  	v2 =	vadd.f32 v62, v2;
	_ =	sdelay $0x1  }
0x172: {  	v2 =	vadd.f32 v63, v2;
	_ =	sdelay $0x1  }
0x173: {  	v2 =	vadd.f32 v3, v2;
	_ =	sdelay $0x1  }
0x174: {  	s0 =	rddreg [dreg:$0x10];
	[tilespmem:s17+$0x5370] =	vst v2  }
0x175: {  	[hbm4b:s0+s3] =	stream.linear.scatter [tilespmem:s31], [sflag:$0x7], $0x280, $0x38;
	[tilespmem:$0x1A7D0] =	vst v63  }
0x176: {  	_ =	swait.ge [sflag:s26], $0x280  }
0x177: {  	[sflag:s26] =	ssyncset.done $0x0;
	s10 =	rddreg [dreg:$0x14]  }
0x178: {  	s30 =	rddreg [dreg:$0x17];
	[sflag:s26] =	ssyncadd.s32 $0xFFFFFD80  }
0x179: {  	[hbm:s10], [sflag:s21] =	dma.local [spmem:s30], $0x40  }
.Ltmp12:
0x17a: {  	_ = 	snop;
	(pc) =	sbr.rel @!p0 .LBB2_23-.Ltmp12, $4  }
0x17b: {  	_ =	swait.ge [sflag:s26], $0x40  }
0x17c: {  	s19 =	rddreg [dreg:$0x9]  }
0x17d: {  	s22 =	rddreg [dreg:$0x13]  }
0x17e: {  	[sflag:s26] =	ssyncset.done $0x0;
	s0 =	sadd.s32 $0xFFFFFFFF, s19;
	s6 =	sadd.s32 $0x2000, s22  }
.LBB2_22:
0x17f: {  	s17 =	sshrl.u32 s6, $0x3  }
0x180: {  	[sflag:s26] =	ssyncadd.s32 $0xFFFFFFC0;
	s10 =	sadd.s32 $0x400, s10;
	p0 =	sne.s32 s0, $0x1  }
0x181: {  	[hbm:s10], [sflag:s21] =	dma.local [spmem:s17], $0x40  }
.Ltmp13:
0x182: {  	_ = 	snop;
	(pc) =	sbr.rel @p0 .LBB2_22-.Ltmp13, $4  }
0x183: {  	_ = 	snop  }
0x184: {  	s0 =	sadd.s32 $0xFFFFFFFF, s0  }
0x185: {  	_ =	swait.ge [sflag:s26], $0x40  }
0x186: {  	s6 =	sadd.s32 $0x2000, s6;
	[sflag:s26] =	ssyncset.done $0x0  }
.LBB2_23:
0x187: {  	s6 =	rddreg [dreg:$0x16]  }
0x188: {  	s0 =	rddreg [dreg:$0x11];
	s6 =	sadd.s32 $0x1, s6  }
0x189: {  	p0 =	sne.s32 s6, s0  }
.Ltmp14:
0x18a: {  	_ = 	snop;
	(pc) =	sbr.rel @p0 .LBB2_1-.Ltmp14, $2  }
0x18b: {  	_ =	sdelay $0x2  }
0x18c: {  	[sflag:s26] =	ssyncadd.s32 $0xFFFFFFC0  }
0x18d: {  	_ =	sfence.sel $0x180000  }
0x18e: {  	[bflag:$0x0] =	sbarrier.arrive $0xFFFF  }
0x18f: {  	_ =	strace $0x90000047  }
0x190: {  	s0 =	stileid.u32;
	[bflag:$0x2] =	sbarrier.arrive $0xFFFF  }
0x191: {  	p0 =	sne.s32 s0, $0x0;
	s0 =	rddreg [dreg:$0x4]  }
0x192: {  	s0 =	sadd.s32 @!p0 $0x100000, s0  }
0x193: {  	[sflag:s0] =	ssyncadd.tile.s32 @!p0 $0x1;
	_ =	shalt  }
.Lfunc_end2:
_tile_overlayer_lowered:
.L_overlay_start_2:
0x194: {  	(tag) =	ssettag $0x2  }
0x195: {  	s0 =	rddreg [dreg:$0x0];
	s2 =	stileid.u32  }
0x196: {  	s1 =	rddreg [dreg:$0x1];
	p0 =	sne.s32 s2, $0x0  }
0x197: {  	s3 =	rddreg [dreg:$0x2];
	[bflag:$0x3] =	sbarrier.arrive $0xFFFF;
	s2 =	simm.s32 @!p0 $0x1C07  }
0x198: {  	[timem:s3], [sflag:s2] =	dma.local @!p0 [hbm:s0], s1  }
0x199: {  	s0 =	simm.s32 @!p0 $0x7  }
0x19a: {  	_ =	swait.ge @!p0 [sflag:s0], s1  }
0x19b: {  	s1 =	ssub.s32 @!p0 $0x0, s1;
	[sflag:s0] =	ssyncset.done @!p0 $0x0  }
0x19c: {  	[sflag:s0] =	ssyncadd.s32 @!p0 s1  }
0x19d: {  	[bflag:$0x3] =	sbarrier.arrive $0xFFFF  }
0x19e: {  	_ =	shalt  }

</sc_bundles>
